<compile_context>
chip_gen: v7x
topology: tpu7x:2x2x1
jax: 0.10.2.dev20260603
libtpu: 0.0.44.dev20260713+nightly
codegen_flags: <defaults>
</compile_context>

<pallas_src>
import functools

import jax
import jax.numpy as jnp
from jax import lax
from jax.experimental import pallas as pl
from jax.experimental.pallas import tpu as pltpu
from jax.experimental.pallas import tpu_sc as plsc

NCORES = 2
NSUB = 16
NW = NCORES * NSUB
CHUNK = 125

_F32_MAX = float(jnp.finfo(jnp.float32).max)
_F32_MIN = float(jnp.finfo(jnp.float32).min)


def _seg_body(n_iter, rps, rows_d, x_hbm, src_hbm, dst_hbm, zero_hbm,
              aggp_hbm, src_v, dst_v, acc_sh):
    c = lax.axis_index("c")
    s = lax.axis_index("s")
    w = s * NCORES + c
    pltpu.sync_copy(src_hbm.at[w], src_v)
    pltpu.sync_copy(dst_hbm.at[w], dst_v)
    r0 = s * rps
    pltpu.sync_copy(zero_hbm.at[pl.ds(r0, rps)], acc_sh.at[pl.ds(r0, rps)])
    plsc.subcore_barrier()

    @plsc.parallel_loop(0, n_iter, 1, unroll=2)
    def step(i):
        def inner(rows, isem):
            pltpu.async_copy(x_hbm.at[src_v.at[i]], rows, isem).wait()
            pltpu.sync_copy(rows, acc_sh.at[dst_v.at[i]], add=True)

        pl.run_scoped(inner, pltpu.VMEM((CHUNK, rows_d), jnp.float32),
                      pltpu.SemaphoreType.DMA)

    plsc.subcore_barrier()
    pltpu.sync_copy(acc_sh.at[pl.ds(r0, rps)],
                    aggp_hbm.at[c].at[pl.ds(r0, rps)])


def _make_seg_sum(n, n_iter, d):
    rps = n // NSUB
    mesh = plsc.VectorSubcoreMesh(core_axis_name="c", subcore_axis_name="s")
    return pl.kernel(
        functools.partial(_seg_body, n_iter, rps, d),
        out_type=jax.ShapeDtypeStruct((NCORES, n, d), jnp.float32),
        mesh=mesh,
        scratch_types=[
            pltpu.VMEM((n_iter, CHUNK), jnp.int32),
            pltpu.VMEM((n_iter, CHUNK), jnp.int32),
            pltpu.VMEM_SHARED((n, d), jnp.float32),
        ],
    )


def _hist_body(n_g16, dst16_hbm, z1_hbm, hist_hbm, dst16_v, hist_v):
    c = lax.axis_index("c")
    s = lax.axis_index("s")
    w = s * NCORES + c
    pltpu.sync_copy(dst16_hbm.at[w], dst16_v)
    pltpu.sync_copy(z1_hbm, hist_v)
    ones16 = jnp.ones((16,), jnp.float32)

    def hstep(i, carry):
        plsc.addupdate_scatter(hist_v, [dst16_v[i]], ones16)
        return carry

    lax.fori_loop(0, n_g16, hstep, 0)
    pltpu.sync_copy(hist_v, hist_hbm.at[w])


def _make_hist(n, n_g16):
    mesh = plsc.VectorSubcoreMesh(core_axis_name="c", subcore_axis_name="s")
    return pl.kernel(
        functools.partial(_hist_body, n_g16),
        out_type=jax.ShapeDtypeStruct((NW, n), jnp.float32),
        mesh=mesh,
        compiler_params=pltpu.CompilerParams(needs_layout_passes=False),
        scratch_types=[
            pltpu.VMEM((n_g16, 16), jnp.int32),
            pltpu.VMEM((n,), jnp.float32),
        ],
    )


def _gather_body(rows_per_w, n_stream, h_hbm, idx_hbm, out_hbm,
                 idx_v, rows_v, sem):
    c = lax.axis_index("c")
    s = lax.axis_index("s")
    w = s * NCORES + c
    pltpu.sync_copy(idx_hbm.at[w], idx_v)
    for j in range(rows_per_w // n_stream):
        pltpu.async_copy(h_hbm.at[idx_v.at[j]], rows_v, sem).wait()
        pltpu.sync_copy(
            rows_v, out_hbm.at[pl.ds(w * rows_per_w + j * n_stream, n_stream)])


def _make_gather(n, d, b):
    rows_per_w = b // NW
    n_stream = 128
    mesh = plsc.VectorSubcoreMesh(core_axis_name="c", subcore_axis_name="s")
    return pl.kernel(
        functools.partial(_gather_body, rows_per_w, n_stream),
        out_type=jax.ShapeDtypeStruct((b, d), jnp.float32),
        mesh=mesh,
        scratch_types=[
            pltpu.VMEM((rows_per_w // n_stream, n_stream), jnp.int32),
            pltpu.VMEM((n_stream, d), jnp.float32),
            pltpu.SemaphoreType.DMA,
        ],
    )


def _dot_t(a, w):
    return lax.dot_general(a, w, (((1,), (1,)), ((), ())),
                           preferred_element_type=jnp.float32)


def _dense_body(final, n, p_ref, c_ref, h_ref, wl_ref, wr_ref, b_ref,
                g_ref, bt_ref, o_ref):
    agg = p_ref[0, 0:n] + p_ref[1, 0:n]
    cnt = jnp.transpose(jnp.sum(c_ref[...], axis=0, keepdims=True),
                        (1, 0))[0:n]
    mean = agg / jnp.maximum(cnt, 1.0)
    t = (_dot_t(mean, wl_ref[...]) + _dot_t(h_ref[...], wr_ref[...])
         + b_ref[...])
    mu = jnp.mean(t, axis=0, keepdims=True)
    var = jnp.mean((t - mu) ** 2, axis=0, keepdims=True)
    hn = g_ref[...] * (t - mu) * lax.rsqrt(var + 1e-5) + bt_ref[...]
    hn = jnp.where(hn >= 0, hn, 0.01 * hn)
    if final:
        hn = jnp.where(jnp.isnan(hn), jnp.float32(1e-14), hn)
        hn = jnp.clip(hn, _F32_MIN, _F32_MAX)
    o_ref[...] = hn


def _make_dense(n, h, final):
    return pl.pallas_call(
        functools.partial(_dense_body, final, n),
        out_shape=jax.ShapeDtypeStruct((n, h), jnp.float32),
    )


def _mlp_body(nc, rows_ref, feat_ref, w0u_ref, w0v_ref, w0f_ref, b0_ref,
              w1_ref, b1_ref, w2_ref, b2_ref, y_ref, p_ref):
    hu = rows_ref[0:nc, :]
    hv = rows_ref[nc:2 * nc, :]
    z = (_dot_t(hu, w0u_ref[...]) + _dot_t(hv, w0v_ref[...])
         + feat_ref[...] * w0f_ref[...] + b0_ref[...])
    z = jnp.where(z >= 0, z, 0.01 * z)
    z = _dot_t(z, w1_ref[...]) + b1_ref[...]
    z = jnp.where(z >= 0, z, 0.01 * z)
    y = jnp.sum(z * w2_ref[...], axis=1, keepdims=True) + b2_ref[0, 0]
    m = jnp.max(y)
    ey = jnp.exp(y - m)
    p_ref[...] = ey / jnp.sum(ey)
    y_ref[...] = y


def _make_mlp(nc):
    return pl.pallas_call(
        functools.partial(_mlp_body, nc),
        out_shape=(jax.ShapeDtypeStruct((nc, 1), jnp.float32),
                   jax.ShapeDtypeStruct((nc, 1), jnp.float32)),
    )


def kernel(x, edge_index, cand_uv, cand_feat,
           conv0_wl, conv0_wr, conv0_b,
           conv1_wl, conv1_wr, conv1_b,
           bn0_g, bn0_b, bn1_g, bn1_b,
           mlp_w0, mlp_b0, mlp_w1, mlp_b1, mlp_w2, mlp_b2):
    n, d = x.shape
    e = edge_index.shape[1]
    nc = cand_uv.shape[0]
    h = conv0_wl.shape[0]
    n_iter = e // (NW * CHUNK)
    n_g16 = e // (NW * 16)

    npad = ((n + 8 * NSUB - 1) // (8 * NSUB)) * (8 * NSUB)
    src3 = edge_index[0].astype(jnp.int32).reshape(NW, n_iter, CHUNK)
    dst3 = edge_index[1].astype(jnp.int32).reshape(NW, n_iter, CHUNK)
    dst16 = edge_index[1].astype(jnp.int32).reshape(NW, n_g16, 16)
    z128 = jnp.zeros((npad, d), jnp.float32)
    z1 = jnp.zeros((npad,), jnp.float32)
    cidx = jnp.concatenate(
        [cand_uv[:, 0], cand_uv[:, 1]]).astype(jnp.int32).reshape(NW, -1, 128)

    seg = _make_seg_sum(npad, n_iter, d)
    histk = _make_hist(npad, n_g16)
    gat = _make_gather(n, h, 2 * nc)
    dense0 = _make_dense(n, h, False)
    dense1 = _make_dense(n, h, True)
    mlp = _make_mlp(nc)

    cntp = histk(dst16, z1)
    aggp0 = seg(x, src3, dst3, z128)
    h1 = dense0(aggp0, cntp, x, conv0_wl, conv0_wr,
                conv0_b.reshape(1, h), bn0_g.reshape(1, h),
                bn0_b.reshape(1, h))
    aggp1 = seg(h1, src3, dst3, z128)
    h2 = dense1(aggp1, cntp, h1, conv1_wl, conv1_wr,
                conv1_b.reshape(1, h), bn1_g.reshape(1, h),
                bn1_b.reshape(1, h))
    rows = gat(h2, cidx)
    y, p = mlp(rows, cand_feat,
               mlp_w0[:, 0:d], mlp_w0[:, d:2 * d],
               mlp_w0[:, 2 * d].reshape(1, -1), mlp_b0.reshape(1, -1),
               mlp_w1, mlp_b1.reshape(1, -1),
               mlp_w2, mlp_b2.reshape(1, 1))
    return (y, p)

# --- scband reference (transcript-rebuilt; emitter-appended) ---
"""Pipeline reference for scband-policy-network3-84593675862715 (READ-ONLY COPY).

The authoritative reference and input builder live on the scoring server;
editing this copy changes nothing except your own understanding.
"""

import jax, jax.numpy as jnp
import numpy as np


def setup_inputs(seed: int = 0) -> dict:
    key = jax.random.key(seed)
    ks = jax.random.split(key, 20)
    N, E, D, H, NC = 10000, 320000, 128, 128, 4096
    HID = H // 2  # 64
    CIN = 2 * H + 1  # 257

    def lin_w(k, o, i):
        return (jax.random.normal(k, (o, i), jnp.float32) / np.sqrt(i)).astype(jnp.float32)

    def lin_b(k, o):
        return (jax.random.normal(k, (o,), jnp.float32) * 0.01).astype(jnp.float32)

    inp = {}
    inp["x"] = jax.random.normal(ks[0], (N, D), jnp.float32)
    inp["edge_index"] = jax.random.randint(ks[1], (2, E), 0, N, dtype=jnp.int64 if jax.config.jax_enable_x64 else jnp.int32)
    inp["cand_uv"] = jax.random.randint(ks[2], (NC, 2), 0, N, dtype=jnp.int64 if jax.config.jax_enable_x64 else jnp.int32)
    inp["cand_feat"] = jax.random.uniform(ks[3], (NC, 1), jnp.float32)
    # SAGEConv 0: lin_l (on aggregated neighbors, with bias) and lin_r (on root, no bias)
    inp["conv0_wl"] = lin_w(ks[4], H, D)
    inp["conv0_wr"] = lin_w(ks[5], H, D)
    inp["conv0_b"] = lin_b(ks[6], H)
    # SAGEConv 1
    inp["conv1_wl"] = lin_w(ks[7], H, H)
    inp["conv1_wr"] = lin_w(ks[8], H, H)
    inp["conv1_b"] = lin_b(ks[9], H)
    # BatchNorm affine params (training-mode batch statistics)
    inp["bn0_g"] = jnp.ones((H,), jnp.float32)
    inp["bn0_b"] = jnp.zeros((H,), jnp.float32)
    inp["bn1_g"] = jnp.ones((H,), jnp.float32)
    inp["bn1_b"] = jnp.zeros((H,), jnp.float32)
    # confidence MLP: layer_sizes = [2*H+1, H//2, H//2, 1]
    inp["mlp_w0"] = lin_w(ks[10], HID, CIN)
    inp["mlp_b0"] = lin_b(ks[11], HID)
    inp["mlp_w1"] = lin_w(ks[12], HID, HID)
    inp["mlp_b1"] = lin_b(ks[13], HID)
    inp["mlp_w2"] = lin_w(ks[14], 1, HID)
    inp["mlp_b2"] = lin_b(ks[15], 1)
    return inp


def reference(x, edge_index, cand_uv, cand_feat,
              conv0_wl, conv0_wr, conv0_b,
              conv1_wl, conv1_wr, conv1_b,
              bn0_g, bn0_b, bn1_g, bn1_b,
              mlp_w0, mlp_b0, mlp_w1, mlp_b1, mlp_w2, mlp_b2):
    N = x.shape[0]
    src = edge_index[0]
    dst = edge_index[1]

    def sage(h, wl, wr, b):
        msg = h[src]  # gather source node features
        agg = jax.ops.segment_sum(msg, dst, num_segments=N)
        cnt = jax.ops.segment_sum(jnp.ones((src.shape[0],), h.dtype), dst, num_segments=N)
        mean = agg / jnp.clip(cnt, 1.0)[:, None]
        return mean @ wl.T + b + h @ wr.T

    def bn(h, g, bta):
        mu = jnp.mean(h, axis=0)
        var = jnp.var(h, axis=0)
        return g * (h - mu) / jnp.sqrt(var + 1e-5) + bta

    h = sage(x, conv0_wl, conv0_wr, conv0_b)
    h = jax.nn.leaky_relu(bn(h, bn0_g, bn0_b), 0.01)
    # dropout with p=0.0 -> identity
    h = sage(h, conv1_wl, conv1_wr, conv1_b)
    h = jax.nn.leaky_relu(bn(h, bn1_g, bn1_b), 0.01)
    h = jnp.nan_to_num(h, nan=1e-14)
    # get_candidate_embs: concat(x[u], x[v], cand_feature)
    emb = jnp.concatenate([h[cand_uv[:, 0]], h[cand_uv[:, 1]], cand_feat], axis=-1)
    z = jax.nn.leaky_relu(emb @ mlp_w0.T + mlp_b0, 0.01)
    z = jax.nn.leaky_relu(z @ mlp_w1.T + mlp_b1, 0.01)
    y = z @ mlp_w2.T + mlp_b2
    return (y, jax.nn.softmax(y, axis=0))

if __name__ == "__main__":
    import jax
    _d = setup_inputs()
    print(jax.jit(kernel)(*tuple(_d.values())))

</pallas_src>

<mosaic_0001>
#map = affine_map<(d0, d1) -> (0, 0)>
#map1 = affine_map<(d0, d1) -> (0, 0, 0)>
module attributes {stable_mosaic.version = 14 : i64} {
  func.func @_gather_body(%arg0: i32, %arg1: i32, %arg2: memref<10000x128xf32, #tpu.memory_space<hbm>>, %arg3: memref<32x2x128xi32, #tpu.memory_space<hbm>>, %arg4: memref<8192x128xf32, #tpu.memory_space<hbm>>, %arg5: memref<2x128xi32, #tpu.memory_space<vmem>>, %arg6: memref<128x128xf32, #tpu.memory_space<vmem>>, %arg7: memref<!tpu.dma_semaphore, #tpu.memory_space<semaphore_mem>>) attributes {dimension_semantics = [#tpu.dimension_semantics<core_parallel>, #tpu.dimension_semantics<subcore_parallel>], iteration_bounds = array<i64: 2, 16>, scalar_prefetch = 0 : i64, scratch_operands = 3 : i64, tpu.core_type = #tpu.core_type<sc_vector_subcore>, window_params = [{transform_indices = #map}, {transform_indices = #map1}, {transform_indices = #map}]} {
    %mul3A = arith.constant 2 : i32
    %mul3A_0 = arith.muli %arg1, %mul3A : i32
    %add3A = arith.addi %mul3A_0, %arg0 : i32
    "tpu.region"() ({
      %run_scoped3A = tpu.sem_alloc : memref<!tpu.dma_semaphore, #tpu.memory_space<semaphore_mem>>
      %dma_start3A_35 = arith.constant 0 : i32
      %dma_start3A_36 = arith.constant 0 : i32
      %dma_start3A_37 = tpu.memref_slice %arg3[%add3A, %dma_start3A_35, %dma_start3A_36] : memref<32x2x128xi32, #tpu.memory_space<hbm>> -> memref<1x2x128xi32, #tpu.memory_space<hbm>>
      %dma_start3A_38 = tpu.memref_squeeze %dma_start3A_37 : memref<1x2x128xi32, #tpu.memory_space<hbm>> -> memref<2x128xi32, #tpu.memory_space<hbm>>
      %dma_start3A_39 = arith.constant 0 : i32
      %dma_start3A_40 = arith.constant 0 : i32
      %dma_start3A_41 = tpu.memref_slice %arg3[%add3A, %dma_start3A_39, %dma_start3A_40] : memref<32x2x128xi32, #tpu.memory_space<hbm>> -> memref<1x2x128xi32, #tpu.memory_space<hbm>>
      %dma_start3A_42 = tpu.memref_squeeze %dma_start3A_41 : memref<1x2x128xi32, #tpu.memory_space<hbm>> -> memref<2x128xi32, #tpu.memory_space<hbm>>
      tpu.enqueue_dma source(%dma_start3A_42 : memref<2x128xi32, #tpu.memory_space<hbm>>) target(%arg5 : memref<2x128xi32, #tpu.memory_space<vmem>>) target_semaphore(%run_scoped3A : memref<!tpu.dma_semaphore, #tpu.memory_space<semaphore_mem>>)
      %dma_wait3A_43 = arith.constant 0 : i32
      %dma_wait3A_44 = arith.constant 0 : i32
      %dma_wait3A_45 = tpu.memref_slice %arg3[%add3A, %dma_wait3A_43, %dma_wait3A_44] : memref<32x2x128xi32, #tpu.memory_space<hbm>> -> memref<1x2x128xi32, #tpu.memory_space<hbm>>
      %dma_wait3A_46 = tpu.memref_squeeze %dma_wait3A_45 : memref<1x2x128xi32, #tpu.memory_space<hbm>> -> memref<2x128xi32, #tpu.memory_space<hbm>>
      %dma_wait3A_47 = arith.constant 0 : i32
      %dma_wait3A_48 = arith.constant 0 : i32
      %dma_wait3A_49 = tpu.memref_slice %arg3[%add3A, %dma_wait3A_47, %dma_wait3A_48] : memref<32x2x128xi32, #tpu.memory_space<hbm>> -> memref<1x2x128xi32, #tpu.memory_space<hbm>>
      %dma_wait3A_50 = tpu.memref_squeeze %dma_wait3A_49 : memref<1x2x128xi32, #tpu.memory_space<hbm>> -> memref<2x128xi32, #tpu.memory_space<hbm>>
      tpu.wait_dma2 semaphore(%run_scoped3A : memref<!tpu.dma_semaphore, #tpu.memory_space<semaphore_mem>>) src(%dma_wait3A_50 : memref<2x128xi32, #tpu.memory_space<hbm>>) dst(%arg5 : memref<2x128xi32, #tpu.memory_space<vmem>>)
      tpu.yield
    }) : () -> ()
    %dma_start3A = arith.constant 0 : i32
    %dma_start3A_1 = arith.constant 0 : i32
    %dma_start3A_2 = tpu.memref_slice %arg5[%dma_start3A, %dma_start3A_1] : memref<2x128xi32, #tpu.memory_space<vmem>> -> memref<1x128xi32, #tpu.memory_space<vmem>>
    %dma_start3A_3 = tpu.memref_squeeze %dma_start3A_2 : memref<1x128xi32, #tpu.memory_space<vmem>> -> memref<128xi32, #tpu.memory_space<vmem>>
    %dma_start3A_4 = arith.constant 0 : i32
    %dma_start3A_5 = arith.constant 0 : i32
    %dma_start3A_6 = tpu.memref_slice %arg2[%dma_start3A_4, %dma_start3A_5] : memref<10000x128xf32, #tpu.memory_space<hbm>> -> memref<10000x128xf32, #tpu.memory_space<hbm>>
    tpu.enqueue_indirect_dma source(%dma_start3A_6 : memref<10000x128xf32, #tpu.memory_space<hbm>>) target(%arg6 : memref<128x128xf32, #tpu.memory_space<vmem>>) offsets(%dma_start3A_3 : memref<128xi32, #tpu.memory_space<vmem>>) semaphore(%arg7 : memref<!tpu.dma_semaphore, #tpu.memory_space<semaphore_mem>>)
    %dma_wait3A = arith.constant 0 : i32
    %dma_wait3A_7 = arith.constant 0 : i32
    %dma_wait3A_8 = tpu.memref_slice %arg5[%dma_wait3A, %dma_wait3A_7] : memref<2x128xi32, #tpu.memory_space<vmem>> -> memref<1x128xi32, #tpu.memory_space<vmem>>
    %dma_wait3A_9 = tpu.memref_squeeze %dma_wait3A_8 : memref<1x128xi32, #tpu.memory_space<vmem>> -> memref<128xi32, #tpu.memory_space<vmem>>
    %dma_wait3A_10 = arith.constant 0 : i32
    %dma_wait3A_11 = arith.constant 0 : i32
    %dma_wait3A_12 = tpu.memref_slice %arg2[%dma_wait3A_10, %dma_wait3A_11] : memref<10000x128xf32, #tpu.memory_space<hbm>> -> memref<10000x128xf32, #tpu.memory_space<hbm>>
    tpu.wait_indirect_dma semaphore(%arg7 : memref<!tpu.dma_semaphore, #tpu.memory_space<semaphore_mem>>) src(%dma_wait3A_12 : memref<10000x128xf32, #tpu.memory_space<hbm>>) dst(%arg6 : memref<128x128xf32, #tpu.memory_space<vmem>>)
    %mul3A_13 = arith.constant 256 : i32
    %mul3A_14 = arith.muli %add3A, %mul3A_13 : i32
    %add3A_15 = arith.constant 0 : i32
    %add3A_16 = arith.addi %mul3A_14, %add3A_15 : i32
    "tpu.region"() ({
      %run_scoped3A = tpu.sem_alloc : memref<!tpu.dma_semaphore, #tpu.memory_space<semaphore_mem>>
      %dma_start3A_35 = arith.constant 0 : i32
      %dma_start3A_36 = tpu.memref_slice %arg4[%add3A_16, %dma_start3A_35] : memref<8192x128xf32, #tpu.memory_space<hbm>> -> memref<128x128xf32, #tpu.memory_space<hbm>>
      %dma_start3A_37 = arith.constant 0 : i32
      %dma_start3A_38 = tpu.memref_slice %arg4[%add3A_16, %dma_start3A_37] : memref<8192x128xf32, #tpu.memory_space<hbm>> -> memref<128x128xf32, #tpu.memory_space<hbm>>
      tpu.enqueue_dma source(%arg6 : memref<128x128xf32, #tpu.memory_space<vmem>>) target(%dma_start3A_38 : memref<128x128xf32, #tpu.memory_space<hbm>>) target_semaphore(%run_scoped3A : memref<!tpu.dma_semaphore, #tpu.memory_space<semaphore_mem>>)
      %dma_wait3A_39 = arith.constant 0 : i32
      %dma_wait3A_40 = tpu.memref_slice %arg4[%add3A_16, %dma_wait3A_39] : memref<8192x128xf32, #tpu.memory_space<hbm>> -> memref<128x128xf32, #tpu.memory_space<hbm>>
      %dma_wait3A_41 = arith.constant 0 : i32
      %dma_wait3A_42 = tpu.memref_slice %arg4[%add3A_16, %dma_wait3A_41] : memref<8192x128xf32, #tpu.memory_space<hbm>> -> memref<128x128xf32, #tpu.memory_space<hbm>>
      tpu.wait_dma2 semaphore(%run_scoped3A : memref<!tpu.dma_semaphore, #tpu.memory_space<semaphore_mem>>) src(%arg6 : memref<128x128xf32, #tpu.memory_space<vmem>>) dst(%dma_wait3A_42 : memref<128x128xf32, #tpu.memory_space<hbm>>)
      tpu.yield
    }) : () -> ()
    %dma_start3A_17 = arith.constant 1 : i32
    %dma_start3A_18 = arith.constant 0 : i32
    %dma_start3A_19 = tpu.memref_slice %arg5[%dma_start3A_17, %dma_start3A_18] : memref<2x128xi32, #tpu.memory_space<vmem>> -> memref<1x128xi32, #tpu.memory_space<vmem>>
    %dma_start3A_20 = tpu.memref_squeeze %dma_start3A_19 : memref<1x128xi32, #tpu.memory_space<vmem>> -> memref<128xi32, #tpu.memory_space<vmem>>
    %dma_start3A_21 = arith.constant 0 : i32
    %dma_start3A_22 = arith.constant 0 : i32
    %dma_start3A_23 = tpu.memref_slice %arg2[%dma_start3A_21, %dma_start3A_22] : memref<10000x128xf32, #tpu.memory_space<hbm>> -> memref<10000x128xf32, #tpu.memory_space<hbm>>
    tpu.enqueue_indirect_dma source(%dma_start3A_23 : memref<10000x128xf32, #tpu.memory_space<hbm>>) target(%arg6 : memref<128x128xf32, #tpu.memory_space<vmem>>) offsets(%dma_start3A_20 : memref<128xi32, #tpu.memory_space<vmem>>) semaphore(%arg7 : memref<!tpu.dma_semaphore, #tpu.memory_space<semaphore_mem>>)
    %dma_wait3A_24 = arith.constant 1 : i32
    %dma_wait3A_25 = arith.constant 0 : i32
    %dma_wait3A_26 = tpu.memref_slice %arg5[%dma_wait3A_24, %dma_wait3A_25] : memref<2x128xi32, #tpu.memory_space<vmem>> -> memref<1x128xi32, #tpu.memory_space<vmem>>
    %dma_wait3A_27 = tpu.memref_squeeze %dma_wait3A_26 : memref<1x128xi32, #tpu.memory_space<vmem>> -> memref<128xi32, #tpu.memory_space<vmem>>
    %dma_wait3A_28 = arith.constant 0 : i32
    %dma_wait3A_29 = arith.constant 0 : i32
    %dma_wait3A_30 = tpu.memref_slice %arg2[%dma_wait3A_28, %dma_wait3A_29] : memref<10000x128xf32, #tpu.memory_space<hbm>> -> memref<10000x128xf32, #tpu.memory_space<hbm>>
    tpu.wait_indirect_dma semaphore(%arg7 : memref<!tpu.dma_semaphore, #tpu.memory_space<semaphore_mem>>) src(%dma_wait3A_30 : memref<10000x128xf32, #tpu.memory_space<hbm>>) dst(%arg6 : memref<128x128xf32, #tpu.memory_space<vmem>>)
    %mul3A_31 = arith.constant 256 : i32
    %mul3A_32 = arith.muli %add3A, %mul3A_31 : i32
    %add3A_33 = arith.constant 128 : i32
    %add3A_34 = arith.addi %mul3A_32, %add3A_33 : i32
    "tpu.region"() ({
      %run_scoped3A = tpu.sem_alloc : memref<!tpu.dma_semaphore, #tpu.memory_space<semaphore_mem>>
      %dma_start3A_35 = arith.constant 0 : i32
      %dma_start3A_36 = tpu.memref_slice %arg4[%add3A_34, %dma_start3A_35] : memref<8192x128xf32, #tpu.memory_space<hbm>> -> memref<128x128xf32, #tpu.memory_space<hbm>>
      %dma_start3A_37 = arith.constant 0 : i32
      %dma_start3A_38 = tpu.memref_slice %arg4[%add3A_34, %dma_start3A_37] : memref<8192x128xf32, #tpu.memory_space<hbm>> -> memref<128x128xf32, #tpu.memory_space<hbm>>
      tpu.enqueue_dma source(%arg6 : memref<128x128xf32, #tpu.memory_space<vmem>>) target(%dma_start3A_38 : memref<128x128xf32, #tpu.memory_space<hbm>>) target_semaphore(%run_scoped3A : memref<!tpu.dma_semaphore, #tpu.memory_space<semaphore_mem>>)
      %dma_wait3A_39 = arith.constant 0 : i32
      %dma_wait3A_40 = tpu.memref_slice %arg4[%add3A_34, %dma_wait3A_39] : memref<8192x128xf32, #tpu.memory_space<hbm>> -> memref<128x128xf32, #tpu.memory_space<hbm>>
      %dma_wait3A_41 = arith.constant 0 : i32
      %dma_wait3A_42 = tpu.memref_slice %arg4[%add3A_34, %dma_wait3A_41] : memref<8192x128xf32, #tpu.memory_space<hbm>> -> memref<128x128xf32, #tpu.memory_space<hbm>>
      tpu.wait_dma2 semaphore(%run_scoped3A : memref<!tpu.dma_semaphore, #tpu.memory_space<semaphore_mem>>) src(%arg6 : memref<128x128xf32, #tpu.memory_space<vmem>>) dst(%dma_wait3A_42 : memref<128x128xf32, #tpu.memory_space<hbm>>)
      tpu.yield
    }) : () -> ()
    return
  }
}

#map = affine_map<(d0, d1) -> (0, 0, 0)>
#map1 = affine_map<(d0, d1) -> (0)>
#map2 = affine_map<(d0, d1) -> (0, 0)>
module attributes {stable_mosaic.version = 14 : i64} {
  func.func @_hist_body(%arg0: i32, %arg1: i32, %arg2: memref<32x625x16xi32, #tpu.memory_space<hbm>>, %arg3: memref<10112xf32, #tpu.memory_space<hbm>>, %arg4: memref<32x10112xf32, #tpu.memory_space<hbm>>, %arg5: memref<625x16xi32, #tpu.memory_space<vmem>>, %arg6: memref<10112xf32, #tpu.memory_space<vmem>>) attributes {dimension_semantics = [#tpu.dimension_semantics<core_parallel>, #tpu.dimension_semantics<subcore_parallel>], iteration_bounds = array<i64: 2, 16>, scalar_prefetch = 0 : i64, scratch_operands = 2 : i64, tpu.core_type = #tpu.core_type<sc_vector_subcore>, window_params = [{transform_indices = #map}, {transform_indices = #map1}, {transform_indices = #map2}]} {
    %mul3A = arith.constant 2 : i32
    %mul3A_0 = arith.muli %arg1, %mul3A : i32
    %add3A = arith.addi %mul3A_0, %arg0 : i32
    "tpu.region"() ({
      %run_scoped3A = tpu.sem_alloc : memref<!tpu.dma_semaphore, #tpu.memory_space<semaphore_mem>>
      %dma_start3A = arith.constant 0 : i32
      %dma_start3A_7 = arith.constant 0 : i32
      %dma_start3A_8 = tpu.memref_slice %arg2[%add3A, %dma_start3A, %dma_start3A_7] : memref<32x625x16xi32, #tpu.memory_space<hbm>> -> memref<1x625x16xi32, #tpu.memory_space<hbm>>
      %dma_start3A_9 = tpu.memref_squeeze %dma_start3A_8 : memref<1x625x16xi32, #tpu.memory_space<hbm>> -> memref<625x16xi32, #tpu.memory_space<hbm>>
      %dma_start3A_10 = arith.constant 0 : i32
      %dma_start3A_11 = arith.constant 0 : i32
      %dma_start3A_12 = tpu.memref_slice %arg2[%add3A, %dma_start3A_10, %dma_start3A_11] : memref<32x625x16xi32, #tpu.memory_space<hbm>> -> memref<1x625x16xi32, #tpu.memory_space<hbm>>
      %dma_start3A_13 = tpu.memref_squeeze %dma_start3A_12 : memref<1x625x16xi32, #tpu.memory_space<hbm>> -> memref<625x16xi32, #tpu.memory_space<hbm>>
      tpu.enqueue_dma source(%dma_start3A_13 : memref<625x16xi32, #tpu.memory_space<hbm>>) target(%arg5 : memref<625x16xi32, #tpu.memory_space<vmem>>) target_semaphore(%run_scoped3A : memref<!tpu.dma_semaphore, #tpu.memory_space<semaphore_mem>>)
      %dma_wait3A = arith.constant 0 : i32
      %dma_wait3A_14 = arith.constant 0 : i32
      %dma_wait3A_15 = tpu.memref_slice %arg2[%add3A, %dma_wait3A, %dma_wait3A_14] : memref<32x625x16xi32, #tpu.memory_space<hbm>> -> memref<1x625x16xi32, #tpu.memory_space<hbm>>
      %dma_wait3A_16 = tpu.memref_squeeze %dma_wait3A_15 : memref<1x625x16xi32, #tpu.memory_space<hbm>> -> memref<625x16xi32, #tpu.memory_space<hbm>>
      %dma_wait3A_17 = arith.constant 0 : i32
      %dma_wait3A_18 = arith.constant 0 : i32
      %dma_wait3A_19 = tpu.memref_slice %arg2[%add3A, %dma_wait3A_17, %dma_wait3A_18] : memref<32x625x16xi32, #tpu.memory_space<hbm>> -> memref<1x625x16xi32, #tpu.memory_space<hbm>>
      %dma_wait3A_20 = tpu.memref_squeeze %dma_wait3A_19 : memref<1x625x16xi32, #tpu.memory_space<hbm>> -> memref<625x16xi32, #tpu.memory_space<hbm>>
      tpu.wait_dma2 semaphore(%run_scoped3A : memref<!tpu.dma_semaphore, #tpu.memory_space<semaphore_mem>>) src(%dma_wait3A_20 : memref<625x16xi32, #tpu.memory_space<hbm>>) dst(%arg5 : memref<625x16xi32, #tpu.memory_space<vmem>>)
      tpu.yield
    }) : () -> ()
    "tpu.region"() ({
      %run_scoped3A = tpu.sem_alloc : memref<!tpu.dma_semaphore, #tpu.memory_space<semaphore_mem>>
      tpu.enqueue_dma source(%arg3 : memref<10112xf32, #tpu.memory_space<hbm>>) target(%arg6 : memref<10112xf32, #tpu.memory_space<vmem>>) target_semaphore(%run_scoped3A : memref<!tpu.dma_semaphore, #tpu.memory_space<semaphore_mem>>)
      tpu.wait_dma2 semaphore(%run_scoped3A : memref<!tpu.dma_semaphore, #tpu.memory_space<semaphore_mem>>) src(%arg3 : memref<10112xf32, #tpu.memory_space<hbm>>) dst(%arg6 : memref<10112xf32, #tpu.memory_space<vmem>>)
      tpu.yield
    }) : () -> ()
    %broadcast_in_dim3A = arith.constant 1.000000e+00 : f32
    %broadcast_in_dim3A_1 = vector.broadcast %broadcast_in_dim3A : f32 to vector<16xf32>
    %scan3A = arith.constant 0 : i32
    %scan3A_2 = arith.constant 0 : i32
    %scan3A_3 = arith.constant 625 : i32
    %scan3A_4 = arith.addi %scan3A_2, %scan3A_3 : i32
    %scan3A_5 = arith.constant 1 : i32
    scf.for %scan3A_7 = %scan3A_2 to %scan3A_4 step %scan3A_5  : i32 {
      %get3A = arith.index_cast %scan3A_7 : i32 to index
      %get3A_8 = arith.constant 0 : index
      %get3A_9 = tpu.vector_load %arg5[%get3A, %get3A_8] {strides = array<i32>} : memref<625x16xi32, #tpu.memory_space<vmem>>, vector<16xi32>,
      tpu.vector_store_idx %arg6[%get3A_9], %broadcast_in_dim3A_1 {add = true} : memref<10112xf32, #tpu.memory_space<vmem>>[vector<16xi32>], vector<16xf32>,
    }
    %scan3A_6 = arith.constant 625 : i32
    "tpu.region"() ({
      %run_scoped3A = tpu.sem_alloc : memref<!tpu.dma_semaphore, #tpu.memory_space<semaphore_mem>>
      %dma_start3A = arith.constant 0 : i32
      %dma_start3A_7 = tpu.memref_slice %arg4[%add3A, %dma_start3A] : memref<32x10112xf32, #tpu.memory_space<hbm>> -> memref<1x10112xf32, #tpu.memory_space<hbm>>
      %dma_start3A_8 = tpu.memref_squeeze %dma_start3A_7 : memref<1x10112xf32, #tpu.memory_space<hbm>> -> memref<10112xf32, #tpu.memory_space<hbm>>
      %dma_start3A_9 = arith.constant 0 : i32
      %dma_start3A_10 = tpu.memref_slice %arg4[%add3A, %dma_start3A_9] : memref<32x10112xf32, #tpu.memory_space<hbm>> -> memref<1x10112xf32, #tpu.memory_space<hbm>>
      %dma_start3A_11 = tpu.memref_squeeze %dma_start3A_10 : memref<1x10112xf32, #tpu.memory_space<hbm>> -> memref<10112xf32, #tpu.memory_space<hbm>>
      tpu.enqueue_dma source(%arg6 : memref<10112xf32, #tpu.memory_space<vmem>>) target(%dma_start3A_11 : memref<10112xf32, #tpu.memory_space<hbm>>) target_semaphore(%run_scoped3A : memref<!tpu.dma_semaphore, #tpu.memory_space<semaphore_mem>>)
      %dma_wait3A = arith.constant 0 : i32
      %dma_wait3A_12 = tpu.memref_slice %arg4[%add3A, %dma_wait3A] : memref<32x10112xf32, #tpu.memory_space<hbm>> -> memref<1x10112xf32, #tpu.memory_space<hbm>>
      %dma_wait3A_13 = tpu.memref_squeeze %dma_wait3A_12 : memref<1x10112xf32, #tpu.memory_space<hbm>> -> memref<10112xf32, #tpu.memory_space<hbm>>
      %dma_wait3A_14 = arith.constant 0 : i32
      %dma_wait3A_15 = tpu.memref_slice %arg4[%add3A, %dma_wait3A_14] : memref<32x10112xf32, #tpu.memory_space<hbm>> -> memref<1x10112xf32, #tpu.memory_space<hbm>>
      %dma_wait3A_16 = tpu.memref_squeeze %dma_wait3A_15 : memref<1x10112xf32, #tpu.memory_space<hbm>> -> memref<10112xf32, #tpu.memory_space<hbm>>
      tpu.wait_dma2 semaphore(%run_scoped3A : memref<!tpu.dma_semaphore, #tpu.memory_space<semaphore_mem>>) src(%arg6 : memref<10112xf32, #tpu.memory_space<vmem>>) dst(%dma_wait3A_16 : memref<10112xf32, #tpu.memory_space<hbm>>)
      tpu.yield
    }) : () -> ()
    return
  }
}

#map = affine_map<(d0, d1) -> (0, 0)>
#map1 = affine_map<(d0, d1) -> (0, 0, 0)>
module attributes {stable_mosaic.version = 14 : i64} {
  func.func @_seg_body(%arg0: i32, %arg1: i32, %arg2: memref<10000x128xf32, #tpu.memory_space<hbm>>, %arg3: memref<32x80x125xi32, #tpu.memory_space<hbm>>, %arg4: memref<32x80x125xi32, #tpu.memory_space<hbm>>, %arg5: memref<10112x128xf32, #tpu.memory_space<hbm>>, %arg6: memref<2x10112x128xf32, #tpu.memory_space<hbm>>, %arg7: memref<80x125xi32, #tpu.memory_space<vmem>>, %arg8: memref<80x125xi32, #tpu.memory_space<vmem>>, %arg9: memref<10112x128xf32, #tpu.memory_space<vmem_shared>>) attributes {dimension_semantics = [#tpu.dimension_semantics<core_parallel>, #tpu.dimension_semantics<subcore_parallel>], iteration_bounds = array<i64: 2, 16>, scalar_prefetch = 0 : i64, scratch_operands = 3 : i64, tpu.core_type = #tpu.core_type<sc_vector_subcore>, window_params = [{transform_indices = #map}, {transform_indices = #map1}, {transform_indices = #map1}, {transform_indices = #map}, {transform_indices = #map1}]} {
    %mul3A = arith.constant 2 : i32
    %mul3A_0 = arith.muli %arg1, %mul3A : i32
    %add3A = arith.addi %mul3A_0, %arg0 : i32
    "tpu.region"() ({
      %run_scoped3A = tpu.sem_alloc : memref<!tpu.dma_semaphore, #tpu.memory_space<semaphore_mem>>
      %dma_start3A = arith.constant 0 : i32
      %dma_start3A_6 = arith.constant 0 : i32
      %dma_start3A_7 = tpu.memref_slice %arg3[%add3A, %dma_start3A, %dma_start3A_6] : memref<32x80x125xi32, #tpu.memory_space<hbm>> -> memref<1x80x125xi32, #tpu.memory_space<hbm>>
      %dma_start3A_8 = tpu.memref_squeeze %dma_start3A_7 : memref<1x80x125xi32, #tpu.memory_space<hbm>> -> memref<80x125xi32, #tpu.memory_space<hbm>>
      %dma_start3A_9 = arith.constant 0 : i32
      %dma_start3A_10 = arith.constant 0 : i32
      %dma_start3A_11 = tpu.memref_slice %arg3[%add3A, %dma_start3A_9, %dma_start3A_10] : memref<32x80x125xi32, #tpu.memory_space<hbm>> -> memref<1x80x125xi32, #tpu.memory_space<hbm>>
      %dma_start3A_12 = tpu.memref_squeeze %dma_start3A_11 : memref<1x80x125xi32, #tpu.memory_space<hbm>> -> memref<80x125xi32, #tpu.memory_space<hbm>>
      tpu.enqueue_dma source(%dma_start3A_12 : memref<80x125xi32, #tpu.memory_space<hbm>>) target(%arg7 : memref<80x125xi32, #tpu.memory_space<vmem>>) target_semaphore(%run_scoped3A : memref<!tpu.dma_semaphore, #tpu.memory_space<semaphore_mem>>)
      %dma_wait3A = arith.constant 0 : i32
      %dma_wait3A_13 = arith.constant 0 : i32
      %dma_wait3A_14 = tpu.memref_slice %arg3[%add3A, %dma_wait3A, %dma_wait3A_13] : memref<32x80x125xi32, #tpu.memory_space<hbm>> -> memref<1x80x125xi32, #tpu.memory_space<hbm>>
      %dma_wait3A_15 = tpu.memref_squeeze %dma_wait3A_14 : memref<1x80x125xi32, #tpu.memory_space<hbm>> -> memref<80x125xi32, #tpu.memory_space<hbm>>
      %dma_wait3A_16 = arith.constant 0 : i32
      %dma_wait3A_17 = arith.constant 0 : i32
      %dma_wait3A_18 = tpu.memref_slice %arg3[%add3A, %dma_wait3A_16, %dma_wait3A_17] : memref<32x80x125xi32, #tpu.memory_space<hbm>> -> memref<1x80x125xi32, #tpu.memory_space<hbm>>
      %dma_wait3A_19 = tpu.memref_squeeze %dma_wait3A_18 : memref<1x80x125xi32, #tpu.memory_space<hbm>> -> memref<80x125xi32, #tpu.memory_space<hbm>>
      tpu.wait_dma2 semaphore(%run_scoped3A : memref<!tpu.dma_semaphore, #tpu.memory_space<semaphore_mem>>) src(%dma_wait3A_19 : memref<80x125xi32, #tpu.memory_space<hbm>>) dst(%arg7 : memref<80x125xi32, #tpu.memory_space<vmem>>)
      tpu.yield
    }) : () -> ()
    "tpu.region"() ({
      %run_scoped3A = tpu.sem_alloc : memref<!tpu.dma_semaphore, #tpu.memory_space<semaphore_mem>>
      %dma_start3A = arith.constant 0 : i32
      %dma_start3A_6 = arith.constant 0 : i32
      %dma_start3A_7 = tpu.memref_slice %arg4[%add3A, %dma_start3A, %dma_start3A_6] : memref<32x80x125xi32, #tpu.memory_space<hbm>> -> memref<1x80x125xi32, #tpu.memory_space<hbm>>
      %dma_start3A_8 = tpu.memref_squeeze %dma_start3A_7 : memref<1x80x125xi32, #tpu.memory_space<hbm>> -> memref<80x125xi32, #tpu.memory_space<hbm>>
      %dma_start3A_9 = arith.constant 0 : i32
      %dma_start3A_10 = arith.constant 0 : i32
      %dma_start3A_11 = tpu.memref_slice %arg4[%add3A, %dma_start3A_9, %dma_start3A_10] : memref<32x80x125xi32, #tpu.memory_space<hbm>> -> memref<1x80x125xi32, #tpu.memory_space<hbm>>
      %dma_start3A_12 = tpu.memref_squeeze %dma_start3A_11 : memref<1x80x125xi32, #tpu.memory_space<hbm>> -> memref<80x125xi32, #tpu.memory_space<hbm>>
      tpu.enqueue_dma source(%dma_start3A_12 : memref<80x125xi32, #tpu.memory_space<hbm>>) target(%arg8 : memref<80x125xi32, #tpu.memory_space<vmem>>) target_semaphore(%run_scoped3A : memref<!tpu.dma_semaphore, #tpu.memory_space<semaphore_mem>>)
      %dma_wait3A = arith.constant 0 : i32
      %dma_wait3A_13 = arith.constant 0 : i32
      %dma_wait3A_14 = tpu.memref_slice %arg4[%add3A, %dma_wait3A, %dma_wait3A_13] : memref<32x80x125xi32, #tpu.memory_space<hbm>> -> memref<1x80x125xi32, #tpu.memory_space<hbm>>
      %dma_wait3A_15 = tpu.memref_squeeze %dma_wait3A_14 : memref<1x80x125xi32, #tpu.memory_space<hbm>> -> memref<80x125xi32, #tpu.memory_space<hbm>>
      %dma_wait3A_16 = arith.constant 0 : i32
      %dma_wait3A_17 = arith.constant 0 : i32
      %dma_wait3A_18 = tpu.memref_slice %arg4[%add3A, %dma_wait3A_16, %dma_wait3A_17] : memref<32x80x125xi32, #tpu.memory_space<hbm>> -> memref<1x80x125xi32, #tpu.memory_space<hbm>>
      %dma_wait3A_19 = tpu.memref_squeeze %dma_wait3A_18 : memref<1x80x125xi32, #tpu.memory_space<hbm>> -> memref<80x125xi32, #tpu.memory_space<hbm>>
      tpu.wait_dma2 semaphore(%run_scoped3A : memref<!tpu.dma_semaphore, #tpu.memory_space<semaphore_mem>>) src(%dma_wait3A_19 : memref<80x125xi32, #tpu.memory_space<hbm>>) dst(%arg8 : memref<80x125xi32, #tpu.memory_space<vmem>>)
      tpu.yield
    }) : () -> ()
    %mul3A_1 = arith.constant 632 : i32
    %mul3A_2 = arith.muli %arg1, %mul3A_1 : i32
    "tpu.region"() ({
      %run_scoped3A = tpu.sem_alloc : memref<!tpu.dma_semaphore, #tpu.memory_space<semaphore_mem>>
      %dma_start3A = arith.constant 0 : i32
      %dma_start3A_6 = tpu.memref_slice %arg9[%mul3A_2, %dma_start3A] : memref<10112x128xf32, #tpu.memory_space<vmem_shared>> -> memref<632x128xf32, #tpu.memory_space<vmem_shared>>
      %dma_start3A_7 = arith.constant 0 : i32
      %dma_start3A_8 = tpu.memref_slice %arg5[%mul3A_2, %dma_start3A_7] : memref<10112x128xf32, #tpu.memory_space<hbm>> -> memref<632x128xf32, #tpu.memory_space<hbm>>
      tpu.enqueue_dma source(%dma_start3A_8 : memref<632x128xf32, #tpu.memory_space<hbm>>) target(%dma_start3A_6 : memref<632x128xf32, #tpu.memory_space<vmem_shared>>) target_semaphore(%run_scoped3A : memref<!tpu.dma_semaphore, #tpu.memory_space<semaphore_mem>>)
      %dma_wait3A = arith.constant 0 : i32
      %dma_wait3A_9 = tpu.memref_slice %arg9[%mul3A_2, %dma_wait3A] : memref<10112x128xf32, #tpu.memory_space<vmem_shared>> -> memref<632x128xf32, #tpu.memory_space<vmem_shared>>
      %dma_wait3A_10 = arith.constant 0 : i32
      %dma_wait3A_11 = tpu.memref_slice %arg5[%mul3A_2, %dma_wait3A_10] : memref<10112x128xf32, #tpu.memory_space<hbm>> -> memref<632x128xf32, #tpu.memory_space<hbm>>
      tpu.wait_dma2 semaphore(%run_scoped3A : memref<!tpu.dma_semaphore, #tpu.memory_space<semaphore_mem>>) src(%dma_wait3A_11 : memref<632x128xf32, #tpu.memory_space<hbm>>) dst(%dma_wait3A_9 : memref<632x128xf32, #tpu.memory_space<vmem_shared>>)
      tpu.yield
    }) : () -> ()
    %barrier3A = arith.constant 0 : index
    tpu.barrier barrier_id(%barrier3A)
    %parallel_loop3A = arith.constant 0 : i32
    %parallel_loop3A_3 = arith.constant 80 : i32
    %parallel_loop3A_4 = arith.constant 1 : i32
    scf.for %parallel_loop3A_6 = %parallel_loop3A to %parallel_loop3A_3 step %parallel_loop3A_4  : i32 {
      "tpu.region"() ({
        %parallel_loop3A_7 = memref.alloca() : memref<125x128xf32, #tpu.memory_space<vmem>>
        %parallel_loop3A_8 = tpu.sem_alloc : memref<!tpu.dma_semaphore, #tpu.memory_space<semaphore_mem>>
        %parallel_loop3A_9 = arith.constant 0 : i32
        %parallel_loop3A_10 = tpu.memref_slice %arg7[%parallel_loop3A_6, %parallel_loop3A_9] : memref<80x125xi32, #tpu.memory_space<vmem>> -> memref<1x125xi32, #tpu.memory_space<vmem>>
        %parallel_loop3A_11 = tpu.memref_squeeze %parallel_loop3A_10 : memref<1x125xi32, #tpu.memory_space<vmem>> -> memref<125xi32, #tpu.memory_space<vmem>>
        %parallel_loop3A_12 = arith.constant 0 : i32
        %parallel_loop3A_13 = arith.constant 0 : i32
        %parallel_loop3A_14 = tpu.memref_slice %arg2[%parallel_loop3A_12, %parallel_loop3A_13] : memref<10000x128xf32, #tpu.memory_space<hbm>> -> memref<10000x128xf32, #tpu.memory_space<hbm>>
        tpu.enqueue_indirect_dma source(%parallel_loop3A_14 : memref<10000x128xf32, #tpu.memory_space<hbm>>) target(%parallel_loop3A_7 : memref<125x128xf32, #tpu.memory_space<vmem>>) offsets(%parallel_loop3A_11 : memref<125xi32, #tpu.memory_space<vmem>>) semaphore(%parallel_loop3A_8 : memref<!tpu.dma_semaphore, #tpu.memory_space<semaphore_mem>>)
        %parallel_loop3A_15 = arith.constant 0 : i32
        %parallel_loop3A_16 = tpu.memref_slice %arg7[%parallel_loop3A_6, %parallel_loop3A_15] : memref<80x125xi32, #tpu.memory_space<vmem>> -> memref<1x125xi32, #tpu.memory_space<vmem>>
        %parallel_loop3A_17 = tpu.memref_squeeze %parallel_loop3A_16 : memref<1x125xi32, #tpu.memory_space<vmem>> -> memref<125xi32, #tpu.memory_space<vmem>>
        %parallel_loop3A_18 = arith.constant 0 : i32
        %parallel_loop3A_19 = arith.constant 0 : i32
        %parallel_loop3A_20 = tpu.memref_slice %arg2[%parallel_loop3A_18, %parallel_loop3A_19] : memref<10000x128xf32, #tpu.memory_space<hbm>> -> memref<10000x128xf32, #tpu.memory_space<hbm>>
        tpu.wait_indirect_dma semaphore(%parallel_loop3A_8 : memref<!tpu.dma_semaphore, #tpu.memory_space<semaphore_mem>>) src(%parallel_loop3A_20 : memref<10000x128xf32, #tpu.memory_space<hbm>>) dst(%parallel_loop3A_7 : memref<125x128xf32, #tpu.memory_space<vmem>>)
        "tpu.region"() ({
          %parallel_loop3A_21 = tpu.sem_alloc : memref<!tpu.dma_semaphore, #tpu.memory_space<semaphore_mem>>
          %parallel_loop3A_22 = arith.constant 0 : i32
          %parallel_loop3A_23 = tpu.memref_slice %arg8[%parallel_loop3A_6, %parallel_loop3A_22] : memref<80x125xi32, #tpu.memory_space<vmem>> -> memref<1x125xi32, #tpu.memory_space<vmem>>
          %parallel_loop3A_24 = tpu.memref_squeeze %parallel_loop3A_23 : memref<1x125xi32, #tpu.memory_space<vmem>> -> memref<125xi32, #tpu.memory_space<vmem>>
          %parallel_loop3A_25 = arith.constant 0 : i32
          %parallel_loop3A_26 = arith.constant 0 : i32
          %parallel_loop3A_27 = tpu.memref_slice %arg9[%parallel_loop3A_25, %parallel_loop3A_26] : memref<10112x128xf32, #tpu.memory_space<vmem_shared>> -> memref<10112x128xf32, #tpu.memory_space<vmem_shared>>
          tpu.enqueue_indirect_dma source(%parallel_loop3A_7 : memref<125x128xf32, #tpu.memory_space<vmem>>) target(%parallel_loop3A_27 : memref<10112x128xf32, #tpu.memory_space<vmem_shared>>) offsets(%parallel_loop3A_24 : memref<125xi32, #tpu.memory_space<vmem>>) semaphore(%parallel_loop3A_21 : memref<!tpu.dma_semaphore, #tpu.memory_space<semaphore_mem>>) {add = true}
          %parallel_loop3A_28 = arith.constant 0 : i32
          %parallel_loop3A_29 = tpu.memref_slice %arg8[%parallel_loop3A_6, %parallel_loop3A_28] : memref<80x125xi32, #tpu.memory_space<vmem>> -> memref<1x125xi32, #tpu.memory_space<vmem>>
          %parallel_loop3A_30 = tpu.memref_squeeze %parallel_loop3A_29 : memref<1x125xi32, #tpu.memory_space<vmem>> -> memref<125xi32, #tpu.memory_space<vmem>>
          %parallel_loop3A_31 = arith.constant 0 : i32
          %parallel_loop3A_32 = arith.constant 0 : i32
          %parallel_loop3A_33 = tpu.memref_slice %arg9[%parallel_loop3A_31, %parallel_loop3A_32] : memref<10112x128xf32, #tpu.memory_space<vmem_shared>> -> memref<10112x128xf32, #tpu.memory_space<vmem_shared>>
          tpu.wait_indirect_dma semaphore(%parallel_loop3A_21 : memref<!tpu.dma_semaphore, #tpu.memory_space<semaphore_mem>>) src(%parallel_loop3A_7 : memref<125x128xf32, #tpu.memory_space<vmem>>) dst(%parallel_loop3A_33 : memref<10112x128xf32, #tpu.memory_space<vmem_shared>>)
          tpu.yield
        }) : () -> ()
        tpu.yield
      }) : () -> ()
    } {sc.loop_unroll_factor = 2 : i64, sc.parallel_access}
    %barrier3A_5 = arith.constant 0 : index
    tpu.barrier barrier_id(%barrier3A_5)
    "tpu.region"() ({
      %run_scoped3A = tpu.sem_alloc : memref<!tpu.dma_semaphore, #tpu.memory_space<semaphore_mem>>
      %dma_start3A = arith.constant 0 : i32
      %dma_start3A_6 = arith.constant 0 : i32
      %dma_start3A_7 = tpu.memref_slice %arg6[%arg0, %dma_start3A, %dma_start3A_6] : memref<2x10112x128xf32, #tpu.memory_space<hbm>> -> memref<1x10112x128xf32, #tpu.memory_space<hbm>>
      %dma_start3A_8 = tpu.memref_squeeze %dma_start3A_7 : memref<1x10112x128xf32, #tpu.memory_space<hbm>> -> memref<10112x128xf32, #tpu.memory_space<hbm>>
      %dma_start3A_9 = arith.constant 0 : i32
      %dma_start3A_10 = tpu.memref_slice %dma_start3A_8[%mul3A_2, %dma_start3A_9] : memref<10112x128xf32, #tpu.memory_space<hbm>> -> memref<632x128xf32, #tpu.memory_space<hbm>>
      %dma_start3A_11 = arith.constant 0 : i32
      %dma_start3A_12 = tpu.memref_slice %arg9[%mul3A_2, %dma_start3A_11] : memref<10112x128xf32, #tpu.memory_space<vmem_shared>> -> memref<632x128xf32, #tpu.memory_space<vmem_shared>>
      tpu.enqueue_dma source(%dma_start3A_12 : memref<632x128xf32, #tpu.memory_space<vmem_shared>>) target(%dma_start3A_10 : memref<632x128xf32, #tpu.memory_space<hbm>>) target_semaphore(%run_scoped3A : memref<!tpu.dma_semaphore, #tpu.memory_space<semaphore_mem>>)
      %dma_wait3A = arith.constant 0 : i32
      %dma_wait3A_13 = arith.constant 0 : i32
      %dma_wait3A_14 = tpu.memref_slice %arg6[%arg0, %dma_wait3A, %dma_wait3A_13] : memref<2x10112x128xf32, #tpu.memory_space<hbm>> -> memref<1x10112x128xf32, #tpu.memory_space<hbm>>
      %dma_wait3A_15 = tpu.memref_squeeze %dma_wait3A_14 : memref<1x10112x128xf32, #tpu.memory_space<hbm>> -> memref<10112x128xf32, #tpu.memory_space<hbm>>
      %dma_wait3A_16 = arith.constant 0 : i32
      %dma_wait3A_17 = tpu.memref_slice %dma_wait3A_15[%mul3A_2, %dma_wait3A_16] : memref<10112x128xf32, #tpu.memory_space<hbm>> -> memref<632x128xf32, #tpu.memory_space<hbm>>
      %dma_wait3A_18 = arith.constant 0 : i32
      %dma_wait3A_19 = tpu.memref_slice %arg9[%mul3A_2, %dma_wait3A_18] : memref<10112x128xf32, #tpu.memory_space<vmem_shared>> -> memref<632x128xf32, #tpu.memory_space<vmem_shared>>
      tpu.wait_dma2 semaphore(%run_scoped3A : memref<!tpu.dma_semaphore, #tpu.memory_space<semaphore_mem>>) src(%dma_wait3A_19 : memref<632x128xf32, #tpu.memory_space<vmem_shared>>) dst(%dma_wait3A_17 : memref<632x128xf32, #tpu.memory_space<hbm>>)
      tpu.yield
    }) : () -> ()
    return
  }
}

#map = affine_map<(d0, d1) -> (0, 0)>
#map1 = affine_map<(d0, d1) -> (0, 0, 0)>
module attributes {stable_mosaic.version = 14 : i64} {
  func.func @_seg_body(%arg0: i32, %arg1: i32, %arg2: memref<10000x128xf32, #tpu.memory_space<hbm>>, %arg3: memref<32x80x125xi32, #tpu.memory_space<hbm>>, %arg4: memref<32x80x125xi32, #tpu.memory_space<hbm>>, %arg5: memref<10112x128xf32, #tpu.memory_space<hbm>>, %arg6: memref<2x10112x128xf32, #tpu.memory_space<hbm>>, %arg7: memref<80x125xi32, #tpu.memory_space<vmem>>, %arg8: memref<80x125xi32, #tpu.memory_space<vmem>>, %arg9: memref<10112x128xf32, #tpu.memory_space<vmem_shared>>) attributes {dimension_semantics = [#tpu.dimension_semantics<core_parallel>, #tpu.dimension_semantics<subcore_parallel>], iteration_bounds = array<i64: 2, 16>, scalar_prefetch = 0 : i64, scratch_operands = 3 : i64, tpu.core_type = #tpu.core_type<sc_vector_subcore>, window_params = [{transform_indices = #map}, {transform_indices = #map1}, {transform_indices = #map1}, {transform_indices = #map}, {transform_indices = #map1}]} {
    %mul3A = arith.constant 2 : i32
    %mul3A_0 = arith.muli %arg1, %mul3A : i32
    %add3A = arith.addi %mul3A_0, %arg0 : i32
    "tpu.region"() ({
      %run_scoped3A = tpu.sem_alloc : memref<!tpu.dma_semaphore, #tpu.memory_space<semaphore_mem>>
      %dma_start3A = arith.constant 0 : i32
      %dma_start3A_6 = arith.constant 0 : i32
      %dma_start3A_7 = tpu.memref_slice %arg3[%add3A, %dma_start3A, %dma_start3A_6] : memref<32x80x125xi32, #tpu.memory_space<hbm>> -> memref<1x80x125xi32, #tpu.memory_space<hbm>>
      %dma_start3A_8 = tpu.memref_squeeze %dma_start3A_7 : memref<1x80x125xi32, #tpu.memory_space<hbm>> -> memref<80x125xi32, #tpu.memory_space<hbm>>
      %dma_start3A_9 = arith.constant 0 : i32
      %dma_start3A_10 = arith.constant 0 : i32
      %dma_start3A_11 = tpu.memref_slice %arg3[%add3A, %dma_start3A_9, %dma_start3A_10] : memref<32x80x125xi32, #tpu.memory_space<hbm>> -> memref<1x80x125xi32, #tpu.memory_space<hbm>>
      %dma_start3A_12 = tpu.memref_squeeze %dma_start3A_11 : memref<1x80x125xi32, #tpu.memory_space<hbm>> -> memref<80x125xi32, #tpu.memory_space<hbm>>
      tpu.enqueue_dma source(%dma_start3A_12 : memref<80x125xi32, #tpu.memory_space<hbm>>) target(%arg7 : memref<80x125xi32, #tpu.memory_space<vmem>>) target_semaphore(%run_scoped3A : memref<!tpu.dma_semaphore, #tpu.memory_space<semaphore_mem>>)
      %dma_wait3A = arith.constant 0 : i32
      %dma_wait3A_13 = arith.constant 0 : i32
      %dma_wait3A_14 = tpu.memref_slice %arg3[%add3A, %dma_wait3A, %dma_wait3A_13] : memref<32x80x125xi32, #tpu.memory_space<hbm>> -> memref<1x80x125xi32, #tpu.memory_space<hbm>>
      %dma_wait3A_15 = tpu.memref_squeeze %dma_wait3A_14 : memref<1x80x125xi32, #tpu.memory_space<hbm>> -> memref<80x125xi32, #tpu.memory_space<hbm>>
      %dma_wait3A_16 = arith.constant 0 : i32
      %dma_wait3A_17 = arith.constant 0 : i32
      %dma_wait3A_18 = tpu.memref_slice %arg3[%add3A, %dma_wait3A_16, %dma_wait3A_17] : memref<32x80x125xi32, #tpu.memory_space<hbm>> -> memref<1x80x125xi32, #tpu.memory_space<hbm>>
      %dma_wait3A_19 = tpu.memref_squeeze %dma_wait3A_18 : memref<1x80x125xi32, #tpu.memory_space<hbm>> -> memref<80x125xi32, #tpu.memory_space<hbm>>
      tpu.wait_dma2 semaphore(%run_scoped3A : memref<!tpu.dma_semaphore, #tpu.memory_space<semaphore_mem>>) src(%dma_wait3A_19 : memref<80x125xi32, #tpu.memory_space<hbm>>) dst(%arg7 : memref<80x125xi32, #tpu.memory_space<vmem>>)
      tpu.yield
    }) : () -> ()
    "tpu.region"() ({
      %run_scoped3A = tpu.sem_alloc : memref<!tpu.dma_semaphore, #tpu.memory_space<semaphore_mem>>
      %dma_start3A = arith.constant 0 : i32
      %dma_start3A_6 = arith.constant 0 : i32
      %dma_start3A_7 = tpu.memref_slice %arg4[%add3A, %dma_start3A, %dma_start3A_6] : memref<32x80x125xi32, #tpu.memory_space<hbm>> -> memref<1x80x125xi32, #tpu.memory_space<hbm>>
      %dma_start3A_8 = tpu.memref_squeeze %dma_start3A_7 : memref<1x80x125xi32, #tpu.memory_space<hbm>> -> memref<80x125xi32, #tpu.memory_space<hbm>>
      %dma_start3A_9 = arith.constant 0 : i32
      %dma_start3A_10 = arith.constant 0 : i32
      %dma_start3A_11 = tpu.memref_slice %arg4[%add3A, %dma_start3A_9, %dma_start3A_10] : memref<32x80x125xi32, #tpu.memory_space<hbm>> -> memref<1x80x125xi32, #tpu.memory_space<hbm>>
      %dma_start3A_12 = tpu.memref_squeeze %dma_start3A_11 : memref<1x80x125xi32, #tpu.memory_space<hbm>> -> memref<80x125xi32, #tpu.memory_space<hbm>>
      tpu.enqueue_dma source(%dma_start3A_12 : memref<80x125xi32, #tpu.memory_space<hbm>>) target(%arg8 : memref<80x125xi32, #tpu.memory_space<vmem>>) target_semaphore(%run_scoped3A : memref<!tpu.dma_semaphore, #tpu.memory_space<semaphore_mem>>)
      %dma_wait3A = arith.constant 0 : i32
      %dma_wait3A_13 = arith.constant 0 : i32
      %dma_wait3A_14 = tpu.memref_slice %arg4[%add3A, %dma_wait3A, %dma_wait3A_13] : memref<32x80x125xi32, #tpu.memory_space<hbm>> -> memref<1x80x125xi32, #tpu.memory_space<hbm>>
      %dma_wait3A_15 = tpu.memref_squeeze %dma_wait3A_14 : memref<1x80x125xi32, #tpu.memory_space<hbm>> -> memref<80x125xi32, #tpu.memory_space<hbm>>
      %dma_wait3A_16 = arith.constant 0 : i32
      %dma_wait3A_17 = arith.constant 0 : i32
      %dma_wait3A_18 = tpu.memref_slice %arg4[%add3A, %dma_wait3A_16, %dma_wait3A_17] : memref<32x80x125xi32, #tpu.memory_space<hbm>> -> memref<1x80x125xi32, #tpu.memory_space<hbm>>
      %dma_wait3A_19 = tpu.memref_squeeze %dma_wait3A_18 : memref<1x80x125xi32, #tpu.memory_space<hbm>> -> memref<80x125xi32, #tpu.memory_space<hbm>>
      tpu.wait_dma2 semaphore(%run_scoped3A : memref<!tpu.dma_semaphore, #tpu.memory_space<semaphore_mem>>) src(%dma_wait3A_19 : memref<80x125xi32, #tpu.memory_space<hbm>>) dst(%arg8 : memref<80x125xi32, #tpu.memory_space<vmem>>)
      tpu.yield
    }) : () -> ()
    %mul3A_1 = arith.constant 632 : i32
    %mul3A_2 = arith.muli %arg1, %mul3A_1 : i32
    "tpu.region"() ({
      %run_scoped3A = tpu.sem_alloc : memref<!tpu.dma_semaphore, #tpu.memory_space<semaphore_mem>>
      %dma_start3A = arith.constant 0 : i32
      %dma_start3A_6 = tpu.memref_slice %arg9[%mul3A_2, %dma_start3A] : memref<10112x128xf32, #tpu.memory_space<vmem_shared>> -> memref<632x128xf32, #tpu.memory_space<vmem_shared>>
      %dma_start3A_7 = arith.constant 0 : i32
      %dma_start3A_8 = tpu.memref_slice %arg5[%mul3A_2, %dma_start3A_7] : memref<10112x128xf32, #tpu.memory_space<hbm>> -> memref<632x128xf32, #tpu.memory_space<hbm>>
      tpu.enqueue_dma source(%dma_start3A_8 : memref<632x128xf32, #tpu.memory_space<hbm>>) target(%dma_start3A_6 : memref<632x128xf32, #tpu.memory_space<vmem_shared>>) target_semaphore(%run_scoped3A : memref<!tpu.dma_semaphore, #tpu.memory_space<semaphore_mem>>)
      %dma_wait3A = arith.constant 0 : i32
      %dma_wait3A_9 = tpu.memref_slice %arg9[%mul3A_2, %dma_wait3A] : memref<10112x128xf32, #tpu.memory_space<vmem_shared>> -> memref<632x128xf32, #tpu.memory_space<vmem_shared>>
      %dma_wait3A_10 = arith.constant 0 : i32
      %dma_wait3A_11 = tpu.memref_slice %arg5[%mul3A_2, %dma_wait3A_10] : memref<10112x128xf32, #tpu.memory_space<hbm>> -> memref<632x128xf32, #tpu.memory_space<hbm>>
      tpu.wait_dma2 semaphore(%run_scoped3A : memref<!tpu.dma_semaphore, #tpu.memory_space<semaphore_mem>>) src(%dma_wait3A_11 : memref<632x128xf32, #tpu.memory_space<hbm>>) dst(%dma_wait3A_9 : memref<632x128xf32, #tpu.memory_space<vmem_shared>>)
      tpu.yield
    }) : () -> ()
    %barrier3A = arith.constant 0 : index
    tpu.barrier barrier_id(%barrier3A)
    %parallel_loop3A = arith.constant 0 : i32
    %parallel_loop3A_3 = arith.constant 80 : i32
    %parallel_loop3A_4 = arith.constant 1 : i32
    scf.for %parallel_loop3A_6 = %parallel_loop3A to %parallel_loop3A_3 step %parallel_loop3A_4  : i32 {
      "tpu.region"() ({
        %parallel_loop3A_7 = memref.alloca() : memref<125x128xf32, #tpu.memory_space<vmem>>
        %parallel_loop3A_8 = tpu.sem_alloc : memref<!tpu.dma_semaphore, #tpu.memory_space<semaphore_mem>>
        %parallel_loop3A_9 = arith.constant 0 : i32
        %parallel_loop3A_10 = tpu.memref_slice %arg7[%parallel_loop3A_6, %parallel_loop3A_9] : memref<80x125xi32, #tpu.memory_space<vmem>> -> memref<1x125xi32, #tpu.memory_space<vmem>>
        %parallel_loop3A_11 = tpu.memref_squeeze %parallel_loop3A_10 : memref<1x125xi32, #tpu.memory_space<vmem>> -> memref<125xi32, #tpu.memory_space<vmem>>
        %parallel_loop3A_12 = arith.constant 0 : i32
        %parallel_loop3A_13 = arith.constant 0 : i32
        %parallel_loop3A_14 = tpu.memref_slice %arg2[%parallel_loop3A_12, %parallel_loop3A_13] : memref<10000x128xf32, #tpu.memory_space<hbm>> -> memref<10000x128xf32, #tpu.memory_space<hbm>>
        tpu.enqueue_indirect_dma source(%parallel_loop3A_14 : memref<10000x128xf32, #tpu.memory_space<hbm>>) target(%parallel_loop3A_7 : memref<125x128xf32, #tpu.memory_space<vmem>>) offsets(%parallel_loop3A_11 : memref<125xi32, #tpu.memory_space<vmem>>) semaphore(%parallel_loop3A_8 : memref<!tpu.dma_semaphore, #tpu.memory_space<semaphore_mem>>)
        %parallel_loop3A_15 = arith.constant 0 : i32
        %parallel_loop3A_16 = tpu.memref_slice %arg7[%parallel_loop3A_6, %parallel_loop3A_15] : memref<80x125xi32, #tpu.memory_space<vmem>> -> memref<1x125xi32, #tpu.memory_space<vmem>>
        %parallel_loop3A_17 = tpu.memref_squeeze %parallel_loop3A_16 : memref<1x125xi32, #tpu.memory_space<vmem>> -> memref<125xi32, #tpu.memory_space<vmem>>
        %parallel_loop3A_18 = arith.constant 0 : i32
        %parallel_loop3A_19 = arith.constant 0 : i32
        %parallel_loop3A_20 = tpu.memref_slice %arg2[%parallel_loop3A_18, %parallel_loop3A_19] : memref<10000x128xf32, #tpu.memory_space<hbm>> -> memref<10000x128xf32, #tpu.memory_space<hbm>>
        tpu.wait_indirect_dma semaphore(%parallel_loop3A_8 : memref<!tpu.dma_semaphore, #tpu.memory_space<semaphore_mem>>) src(%parallel_loop3A_20 : memref<10000x128xf32, #tpu.memory_space<hbm>>) dst(%parallel_loop3A_7 : memref<125x128xf32, #tpu.memory_space<vmem>>)
        "tpu.region"() ({
          %parallel_loop3A_21 = tpu.sem_alloc : memref<!tpu.dma_semaphore, #tpu.memory_space<semaphore_mem>>
          %parallel_loop3A_22 = arith.constant 0 : i32
          %parallel_loop3A_23 = tpu.memref_slice %arg8[%parallel_loop3A_6, %parallel_loop3A_22] : memref<80x125xi32, #tpu.memory_space<vmem>> -> memref<1x125xi32, #tpu.memory_space<vmem>>
          %parallel_loop3A_24 = tpu.memref_squeeze %parallel_loop3A_23 : memref<1x125xi32, #tpu.memory_space<vmem>> -> memref<125xi32, #tpu.memory_space<vmem>>
          %parallel_loop3A_25 = arith.constant 0 : i32
          %parallel_loop3A_26 = arith.constant 0 : i32
          %parallel_loop3A_27 = tpu.memref_slice %arg9[%parallel_loop3A_25, %parallel_loop3A_26] : memref<10112x128xf32, #tpu.memory_space<vmem_shared>> -> memref<10112x128xf32, #tpu.memory_space<vmem_shared>>
          tpu.enqueue_indirect_dma source(%parallel_loop3A_7 : memref<125x128xf32, #tpu.memory_space<vmem>>) target(%parallel_loop3A_27 : memref<10112x128xf32, #tpu.memory_space<vmem_shared>>) offsets(%parallel_loop3A_24 : memref<125xi32, #tpu.memory_space<vmem>>) semaphore(%parallel_loop3A_21 : memref<!tpu.dma_semaphore, #tpu.memory_space<semaphore_mem>>) {add = true}
          %parallel_loop3A_28 = arith.constant 0 : i32
          %parallel_loop3A_29 = tpu.memref_slice %arg8[%parallel_loop3A_6, %parallel_loop3A_28] : memref<80x125xi32, #tpu.memory_space<vmem>> -> memref<1x125xi32, #tpu.memory_space<vmem>>
          %parallel_loop3A_30 = tpu.memref_squeeze %parallel_loop3A_29 : memref<1x125xi32, #tpu.memory_space<vmem>> -> memref<125xi32, #tpu.memory_space<vmem>>
          %parallel_loop3A_31 = arith.constant 0 : i32
          %parallel_loop3A_32 = arith.constant 0 : i32
          %parallel_loop3A_33 = tpu.memref_slice %arg9[%parallel_loop3A_31, %parallel_loop3A_32] : memref<10112x128xf32, #tpu.memory_space<vmem_shared>> -> memref<10112x128xf32, #tpu.memory_space<vmem_shared>>
          tpu.wait_indirect_dma semaphore(%parallel_loop3A_21 : memref<!tpu.dma_semaphore, #tpu.memory_space<semaphore_mem>>) src(%parallel_loop3A_7 : memref<125x128xf32, #tpu.memory_space<vmem>>) dst(%parallel_loop3A_33 : memref<10112x128xf32, #tpu.memory_space<vmem_shared>>)
          tpu.yield
        }) : () -> ()
        tpu.yield
      }) : () -> ()
    } {sc.loop_unroll_factor = 2 : i64, sc.parallel_access}
    %barrier3A_5 = arith.constant 0 : index
    tpu.barrier barrier_id(%barrier3A_5)
    "tpu.region"() ({
      %run_scoped3A = tpu.sem_alloc : memref<!tpu.dma_semaphore, #tpu.memory_space<semaphore_mem>>
      %dma_start3A = arith.constant 0 : i32
      %dma_start3A_6 = arith.constant 0 : i32
      %dma_start3A_7 = tpu.memref_slice %arg6[%arg0, %dma_start3A, %dma_start3A_6] : memref<2x10112x128xf32, #tpu.memory_space<hbm>> -> memref<1x10112x128xf32, #tpu.memory_space<hbm>>
      %dma_start3A_8 = tpu.memref_squeeze %dma_start3A_7 : memref<1x10112x128xf32, #tpu.memory_space<hbm>> -> memref<10112x128xf32, #tpu.memory_space<hbm>>
      %dma_start3A_9 = arith.constant 0 : i32
      %dma_start3A_10 = tpu.memref_slice %dma_start3A_8[%mul3A_2, %dma_start3A_9] : memref<10112x128xf32, #tpu.memory_space<hbm>> -> memref<632x128xf32, #tpu.memory_space<hbm>>
      %dma_start3A_11 = arith.constant 0 : i32
      %dma_start3A_12 = tpu.memref_slice %arg9[%mul3A_2, %dma_start3A_11] : memref<10112x128xf32, #tpu.memory_space<vmem_shared>> -> memref<632x128xf32, #tpu.memory_space<vmem_shared>>
      tpu.enqueue_dma source(%dma_start3A_12 : memref<632x128xf32, #tpu.memory_space<vmem_shared>>) target(%dma_start3A_10 : memref<632x128xf32, #tpu.memory_space<hbm>>) target_semaphore(%run_scoped3A : memref<!tpu.dma_semaphore, #tpu.memory_space<semaphore_mem>>)
      %dma_wait3A = arith.constant 0 : i32
      %dma_wait3A_13 = arith.constant 0 : i32
      %dma_wait3A_14 = tpu.memref_slice %arg6[%arg0, %dma_wait3A, %dma_wait3A_13] : memref<2x10112x128xf32, #tpu.memory_space<hbm>> -> memref<1x10112x128xf32, #tpu.memory_space<hbm>>
      %dma_wait3A_15 = tpu.memref_squeeze %dma_wait3A_14 : memref<1x10112x128xf32, #tpu.memory_space<hbm>> -> memref<10112x128xf32, #tpu.memory_space<hbm>>
      %dma_wait3A_16 = arith.constant 0 : i32
      %dma_wait3A_17 = tpu.memref_slice %dma_wait3A_15[%mul3A_2, %dma_wait3A_16] : memref<10112x128xf32, #tpu.memory_space<hbm>> -> memref<632x128xf32, #tpu.memory_space<hbm>>
      %dma_wait3A_18 = arith.constant 0 : i32
      %dma_wait3A_19 = tpu.memref_slice %arg9[%mul3A_2, %dma_wait3A_18] : memref<10112x128xf32, #tpu.memory_space<vmem_shared>> -> memref<632x128xf32, #tpu.memory_space<vmem_shared>>
      tpu.wait_dma2 semaphore(%run_scoped3A : memref<!tpu.dma_semaphore, #tpu.memory_space<semaphore_mem>>) src(%dma_wait3A_19 : memref<632x128xf32, #tpu.memory_space<vmem_shared>>) dst(%dma_wait3A_17 : memref<632x128xf32, #tpu.memory_space<hbm>>)
      tpu.yield
    }) : () -> ()
    return
  }
}

module attributes {stable_mosaic.version = 14 : i64} {
  func.func @_dense_body(%arg0: memref<2x10112x128xf32, #tpu.memory_space<vmem>>, %arg1: memref<32x10112xf32, #tpu.memory_space<vmem>>, %arg2: memref<10000x128xf32, #tpu.memory_space<vmem>>, %arg3: memref<128x128xf32, #tpu.memory_space<vmem>>, %arg4: memref<128x128xf32, #tpu.memory_space<vmem>>, %arg5: memref<1x128xf32, #tpu.memory_space<vmem>>, %arg6: memref<1x128xf32, #tpu.memory_space<vmem>>, %arg7: memref<1x128xf32, #tpu.memory_space<vmem>>, %arg8: memref<10000x128xf32, #tpu.memory_space<vmem>>) attributes {dimension_semantics = [], scalar_prefetch = 0 : i64, scratch_operands = 0 : i64, tpu.core_type = #tpu.core_type<tc>} {
    %get3A = arith.constant 0 : index
    %get3A_0 = arith.constant 0 : index
    %get3A_1 = arith.constant 0 : index
    %get3A_2 = vector.load %arg0[%get3A, %get3A_0, %get3A_1] : memref<2x10112x128xf32, #tpu.memory_space<vmem>>, vector<1x10000x128xf32>
    %get3A_3 = vector.shape_cast %get3A_2 : vector<1x10000x128xf32> to vector<10000x128xf32>
    %get3A_4 = arith.constant 1 : index
    %get3A_5 = arith.constant 0 : index
    %get3A_6 = arith.constant 0 : index
    %get3A_7 = vector.load %arg0[%get3A_4, %get3A_5, %get3A_6] : memref<2x10112x128xf32, #tpu.memory_space<vmem>>, vector<1x10000x128xf32>
    %get3A_8 = vector.shape_cast %get3A_7 : vector<1x10000x128xf32> to vector<10000x128xf32>
    %add3A = arith.addf %get3A_3, %get3A_8 : vector<10000x128xf32>
    %get3A_9 = arith.constant 0 : index
    %get3A_10 = arith.constant 0 : index
    %get3A_11 = vector.load %arg1[%get3A_9, %get3A_10] : memref<32x10112xf32, #tpu.memory_space<vmem>>, vector<32x10112xf32>
    %reduce_sum3A = arith.constant dense<0.000000e+00> : vector<10112xf32>
    %reduce_sum3A_12 = vector.multi_reduction <add>, %get3A_11, %reduce_sum3A [0] : vector<32x10112xf32> to vector<10112xf32>
    %broadcast_in_dim3A = vector.shape_cast %reduce_sum3A_12 : vector<10112xf32> to vector<1x10112xf32>
    %transpose3A = tpu.transpose %broadcast_in_dim3A, [1, 0] : vector<1x10112xf32> -> vector<10112x1xf32>
    %slice3A = vector.extract_strided_slice %transpose3A {offsets = [0, 0], sizes = [10000, 1], strides = [1, 1]} : vector<10112x1xf32> to vector<10000x1xf32>
    %max3A = arith.constant 1.000000e+00 : f32
    %max3A_13 = vector.broadcast %max3A : f32 to vector<10000x1xf32>
    %max3A_14 = arith.maximumf %slice3A, %max3A_13 : vector<10000x1xf32>
    %div3A = vector.broadcast %max3A_14 : vector<10000x1xf32> to vector<10000x128xf32>
    %div3A_15 = arith.divf %add3A, %div3A : vector<10000x128xf32>
    %get3A_16 = arith.constant 0 : index
    %get3A_17 = arith.constant 0 : index
    %get3A_18 = vector.load %arg3[%get3A_16, %get3A_17] : memref<128x128xf32, #tpu.memory_space<vmem>>, vector<128x128xf32>
    %dot_general3A = arith.constant dense<0.000000e+00> : vector<10000x128xf32>
    %dot_general3A_19 = tpu.matmul %div3A_15, %get3A_18, %dot_general3A {dimension_numbers = #tpu.dot_dimension_numbers<[1], [1], [0], [0], [0, 0, 1, 0], [], []>, transpose_lhs_hint = false} : vector<10000x128xf32>, vector<128x128xf32>, vector<10000x128xf32> -> vector<10000x128xf32>
    %get3A_20 = arith.constant 0 : index
    %get3A_21 = arith.constant 0 : index
    %get3A_22 = vector.load %arg2[%get3A_20, %get3A_21] : memref<10000x128xf32, #tpu.memory_space<vmem>>, vector<10000x128xf32>
    %get3A_23 = arith.constant 0 : index
    %get3A_24 = arith.constant 0 : index
    %get3A_25 = vector.load %arg4[%get3A_23, %get3A_24] : memref<128x128xf32, #tpu.memory_space<vmem>>, vector<128x128xf32>
    %dot_general3A_26 = arith.constant dense<0.000000e+00> : vector<10000x128xf32>
    %dot_general3A_27 = tpu.matmul %get3A_22, %get3A_25, %dot_general3A_26 {dimension_numbers = #tpu.dot_dimension_numbers<[1], [1], [0], [0], [0, 0, 1, 0], [], []>, transpose_lhs_hint = false} : vector<10000x128xf32>, vector<128x128xf32>, vector<10000x128xf32> -> vector<10000x128xf32>
    %add3A_28 = arith.addf %dot_general3A_19, %dot_general3A_27 : vector<10000x128xf32>
    %get3A_29 = arith.constant 0 : index
    %get3A_30 = arith.constant 0 : index
    %get3A_31 = vector.load %arg5[%get3A_29, %get3A_30] : memref<1x128xf32, #tpu.memory_space<vmem>>, vector<1x128xf32>
    %add3A_32 = vector.broadcast %get3A_31 : vector<1x128xf32> to vector<10000x128xf32>
    %add3A_33 = arith.addf %add3A_28, %add3A_32 : vector<10000x128xf32>
    %reduce_sum3A_34 = arith.constant dense<0.000000e+00> : vector<128xf32>
    %reduce_sum3A_35 = vector.multi_reduction <add>, %add3A_33, %reduce_sum3A_34 [0] : vector<10000x128xf32> to vector<128xf32>
    %broadcast_in_dim3A_36 = vector.shape_cast %reduce_sum3A_35 : vector<128xf32> to vector<1x128xf32>
    %div3A_37 = arith.constant 1.000000e+04 : f32
    %div3A_38 = vector.broadcast %div3A_37 : f32 to vector<1x128xf32>
    %div3A_39 = arith.divf %broadcast_in_dim3A_36, %div3A_38 : vector<1x128xf32>
    %sub3A = vector.broadcast %div3A_39 : vector<1x128xf32> to vector<10000x128xf32>
    %sub3A_40 = arith.subf %add3A_33, %sub3A : vector<10000x128xf32>
    %integer_pow3A = arith.mulf %sub3A_40, %sub3A_40 : vector<10000x128xf32>
    %reduce_sum3A_41 = arith.constant dense<0.000000e+00> : vector<128xf32>
    %reduce_sum3A_42 = vector.multi_reduction <add>, %integer_pow3A, %reduce_sum3A_41 [0] : vector<10000x128xf32> to vector<128xf32>
    %broadcast_in_dim3A_43 = vector.shape_cast %reduce_sum3A_42 : vector<128xf32> to vector<1x128xf32>
    %div3A_44 = arith.constant 1.000000e+04 : f32
    %div3A_45 = vector.broadcast %div3A_44 : f32 to vector<1x128xf32>
    %div3A_46 = arith.divf %broadcast_in_dim3A_43, %div3A_45 : vector<1x128xf32>
    %get3A_47 = arith.constant 0 : index
    %get3A_48 = arith.constant 0 : index
    %get3A_49 = vector.load %arg6[%get3A_47, %get3A_48] : memref<1x128xf32, #tpu.memory_space<vmem>>, vector<1x128xf32>
    %sub3A_50 = vector.broadcast %div3A_39 : vector<1x128xf32> to vector<10000x128xf32>
    %sub3A_51 = arith.subf %add3A_33, %sub3A_50 : vector<10000x128xf32>
    %mul3A = vector.broadcast %get3A_49 : vector<1x128xf32> to vector<10000x128xf32>
    %mul3A_52 = arith.mulf %mul3A, %sub3A_51 : vector<10000x128xf32>
    %add3A_53 = arith.constant 9.99999974E-6 : f32
    %add3A_54 = vector.broadcast %add3A_53 : f32 to vector<1x128xf32>
    %add3A_55 = arith.addf %div3A_46, %add3A_54 : vector<1x128xf32>
    %rsqrt3A = math.rsqrt %add3A_55 : vector<1x128xf32>
    %mul3A_56 = vector.broadcast %rsqrt3A : vector<1x128xf32> to vector<10000x128xf32>
    %mul3A_57 = arith.mulf %mul3A_52, %mul3A_56 : vector<10000x128xf32>
    %get3A_58 = arith.constant 0 : index
    %get3A_59 = arith.constant 0 : index
    %get3A_60 = vector.load %arg7[%get3A_58, %get3A_59] : memref<1x128xf32, #tpu.memory_space<vmem>>, vector<1x128xf32>
    %add3A_61 = vector.broadcast %get3A_60 : vector<1x128xf32> to vector<10000x128xf32>
    %add3A_62 = arith.addf %mul3A_57, %add3A_61 : vector<10000x128xf32>
    %ge3A = arith.constant 0.000000e+00 : f32
    %ge3A_63 = vector.broadcast %ge3A : f32 to vector<10000x128xf32>
    %ge3A_64 = arith.cmpf oge, %add3A_62, %ge3A_63 : vector<10000x128xf32>
    %mul3A_65 = arith.constant 0.00999999977 : f32
    %mul3A_66 = vector.broadcast %mul3A_65 : f32 to vector<10000x128xf32>
    %mul3A_67 = arith.mulf %mul3A_66, %add3A_62 : vector<10000x128xf32>
    %select_n3A = arith.select %ge3A_64, %add3A_62, %mul3A_67 : vector<10000x128xi1>, vector<10000x128xf32>
    %swap3A = arith.constant 0 : index
    %swap3A_68 = arith.constant 0 : index
    %swap3A_69 = vector.load %arg8[%swap3A, %swap3A_68] : memref<10000x128xf32, #tpu.memory_space<vmem>>, vector<10000x128xf32>
    tpu.vector_store %arg8[%swap3A, %swap3A_68], %select_n3A {strides = array<i32>} : memref<10000x128xf32, #tpu.memory_space<vmem>>, vector<10000x128xf32>,
    return
  }
}

module attributes {stable_mosaic.version = 14 : i64} {
  func.func @_dense_body(%arg0: memref<2x10112x128xf32, #tpu.memory_space<vmem>>, %arg1: memref<32x10112xf32, #tpu.memory_space<vmem>>, %arg2: memref<10000x128xf32, #tpu.memory_space<vmem>>, %arg3: memref<128x128xf32, #tpu.memory_space<vmem>>, %arg4: memref<128x128xf32, #tpu.memory_space<vmem>>, %arg5: memref<1x128xf32, #tpu.memory_space<vmem>>, %arg6: memref<1x128xf32, #tpu.memory_space<vmem>>, %arg7: memref<1x128xf32, #tpu.memory_space<vmem>>, %arg8: memref<10000x128xf32, #tpu.memory_space<vmem>>) attributes {dimension_semantics = [], scalar_prefetch = 0 : i64, scratch_operands = 0 : i64, tpu.core_type = #tpu.core_type<tc>} {
    %get3A = arith.constant 0 : index
    %get3A_0 = arith.constant 0 : index
    %get3A_1 = arith.constant 0 : index
    %get3A_2 = vector.load %arg0[%get3A, %get3A_0, %get3A_1] : memref<2x10112x128xf32, #tpu.memory_space<vmem>>, vector<1x10000x128xf32>
    %get3A_3 = vector.shape_cast %get3A_2 : vector<1x10000x128xf32> to vector<10000x128xf32>
    %get3A_4 = arith.constant 1 : index
    %get3A_5 = arith.constant 0 : index
    %get3A_6 = arith.constant 0 : index
    %get3A_7 = vector.load %arg0[%get3A_4, %get3A_5, %get3A_6] : memref<2x10112x128xf32, #tpu.memory_space<vmem>>, vector<1x10000x128xf32>
    %get3A_8 = vector.shape_cast %get3A_7 : vector<1x10000x128xf32> to vector<10000x128xf32>
    %add3A = arith.addf %get3A_3, %get3A_8 : vector<10000x128xf32>
    %get3A_9 = arith.constant 0 : index
    %get3A_10 = arith.constant 0 : index
    %get3A_11 = vector.load %arg1[%get3A_9, %get3A_10] : memref<32x10112xf32, #tpu.memory_space<vmem>>, vector<32x10112xf32>
    %reduce_sum3A = arith.constant dense<0.000000e+00> : vector<10112xf32>
    %reduce_sum3A_12 = vector.multi_reduction <add>, %get3A_11, %reduce_sum3A [0] : vector<32x10112xf32> to vector<10112xf32>
    %broadcast_in_dim3A = vector.shape_cast %reduce_sum3A_12 : vector<10112xf32> to vector<1x10112xf32>
    %transpose3A = tpu.transpose %broadcast_in_dim3A, [1, 0] : vector<1x10112xf32> -> vector<10112x1xf32>
    %slice3A = vector.extract_strided_slice %transpose3A {offsets = [0, 0], sizes = [10000, 1], strides = [1, 1]} : vector<10112x1xf32> to vector<10000x1xf32>
    %max3A = arith.constant 1.000000e+00 : f32
    %max3A_13 = vector.broadcast %max3A : f32 to vector<10000x1xf32>
    %max3A_14 = arith.maximumf %slice3A, %max3A_13 : vector<10000x1xf32>
    %div3A = vector.broadcast %max3A_14 : vector<10000x1xf32> to vector<10000x128xf32>
    %div3A_15 = arith.divf %add3A, %div3A : vector<10000x128xf32>
    %get3A_16 = arith.constant 0 : index
    %get3A_17 = arith.constant 0 : index
    %get3A_18 = vector.load %arg3[%get3A_16, %get3A_17] : memref<128x128xf32, #tpu.memory_space<vmem>>, vector<128x128xf32>
    %dot_general3A = arith.constant dense<0.000000e+00> : vector<10000x128xf32>
    %dot_general3A_19 = tpu.matmul %div3A_15, %get3A_18, %dot_general3A {dimension_numbers = #tpu.dot_dimension_numbers<[1], [1], [0], [0], [0, 0, 1, 0], [], []>, transpose_lhs_hint = false} : vector<10000x128xf32>, vector<128x128xf32>, vector<10000x128xf32> -> vector<10000x128xf32>
    %get3A_20 = arith.constant 0 : index
    %get3A_21 = arith.constant 0 : index
    %get3A_22 = vector.load %arg2[%get3A_20, %get3A_21] : memref<10000x128xf32, #tpu.memory_space<vmem>>, vector<10000x128xf32>
    %get3A_23 = arith.constant 0 : index
    %get3A_24 = arith.constant 0 : index
    %get3A_25 = vector.load %arg4[%get3A_23, %get3A_24] : memref<128x128xf32, #tpu.memory_space<vmem>>, vector<128x128xf32>
    %dot_general3A_26 = arith.constant dense<0.000000e+00> : vector<10000x128xf32>
    %dot_general3A_27 = tpu.matmul %get3A_22, %get3A_25, %dot_general3A_26 {dimension_numbers = #tpu.dot_dimension_numbers<[1], [1], [0], [0], [0, 0, 1, 0], [], []>, transpose_lhs_hint = false} : vector<10000x128xf32>, vector<128x128xf32>, vector<10000x128xf32> -> vector<10000x128xf32>
    %add3A_28 = arith.addf %dot_general3A_19, %dot_general3A_27 : vector<10000x128xf32>
    %get3A_29 = arith.constant 0 : index
    %get3A_30 = arith.constant 0 : index
    %get3A_31 = vector.load %arg5[%get3A_29, %get3A_30] : memref<1x128xf32, #tpu.memory_space<vmem>>, vector<1x128xf32>
    %add3A_32 = vector.broadcast %get3A_31 : vector<1x128xf32> to vector<10000x128xf32>
    %add3A_33 = arith.addf %add3A_28, %add3A_32 : vector<10000x128xf32>
    %reduce_sum3A_34 = arith.constant dense<0.000000e+00> : vector<128xf32>
    %reduce_sum3A_35 = vector.multi_reduction <add>, %add3A_33, %reduce_sum3A_34 [0] : vector<10000x128xf32> to vector<128xf32>
    %broadcast_in_dim3A_36 = vector.shape_cast %reduce_sum3A_35 : vector<128xf32> to vector<1x128xf32>
    %div3A_37 = arith.constant 1.000000e+04 : f32
    %div3A_38 = vector.broadcast %div3A_37 : f32 to vector<1x128xf32>
    %div3A_39 = arith.divf %broadcast_in_dim3A_36, %div3A_38 : vector<1x128xf32>
    %sub3A = vector.broadcast %div3A_39 : vector<1x128xf32> to vector<10000x128xf32>
    %sub3A_40 = arith.subf %add3A_33, %sub3A : vector<10000x128xf32>
    %integer_pow3A = arith.mulf %sub3A_40, %sub3A_40 : vector<10000x128xf32>
    %reduce_sum3A_41 = arith.constant dense<0.000000e+00> : vector<128xf32>
    %reduce_sum3A_42 = vector.multi_reduction <add>, %integer_pow3A, %reduce_sum3A_41 [0] : vector<10000x128xf32> to vector<128xf32>
    %broadcast_in_dim3A_43 = vector.shape_cast %reduce_sum3A_42 : vector<128xf32> to vector<1x128xf32>
    %div3A_44 = arith.constant 1.000000e+04 : f32
    %div3A_45 = vector.broadcast %div3A_44 : f32 to vector<1x128xf32>
    %div3A_46 = arith.divf %broadcast_in_dim3A_43, %div3A_45 : vector<1x128xf32>
    %get3A_47 = arith.constant 0 : index
    %get3A_48 = arith.constant 0 : index
    %get3A_49 = vector.load %arg6[%get3A_47, %get3A_48] : memref<1x128xf32, #tpu.memory_space<vmem>>, vector<1x128xf32>
    %sub3A_50 = vector.broadcast %div3A_39 : vector<1x128xf32> to vector<10000x128xf32>
    %sub3A_51 = arith.subf %add3A_33, %sub3A_50 : vector<10000x128xf32>
    %mul3A = vector.broadcast %get3A_49 : vector<1x128xf32> to vector<10000x128xf32>
    %mul3A_52 = arith.mulf %mul3A, %sub3A_51 : vector<10000x128xf32>
    %add3A_53 = arith.constant 9.99999974E-6 : f32
    %add3A_54 = vector.broadcast %add3A_53 : f32 to vector<1x128xf32>
    %add3A_55 = arith.addf %div3A_46, %add3A_54 : vector<1x128xf32>
    %rsqrt3A = math.rsqrt %add3A_55 : vector<1x128xf32>
    %mul3A_56 = vector.broadcast %rsqrt3A : vector<1x128xf32> to vector<10000x128xf32>
    %mul3A_57 = arith.mulf %mul3A_52, %mul3A_56 : vector<10000x128xf32>
    %get3A_58 = arith.constant 0 : index
    %get3A_59 = arith.constant 0 : index
    %get3A_60 = vector.load %arg7[%get3A_58, %get3A_59] : memref<1x128xf32, #tpu.memory_space<vmem>>, vector<1x128xf32>
    %add3A_61 = vector.broadcast %get3A_60 : vector<1x128xf32> to vector<10000x128xf32>
    %add3A_62 = arith.addf %mul3A_57, %add3A_61 : vector<10000x128xf32>
    %ge3A = arith.constant 0.000000e+00 : f32
    %ge3A_63 = vector.broadcast %ge3A : f32 to vector<10000x128xf32>
    %ge3A_64 = arith.cmpf oge, %add3A_62, %ge3A_63 : vector<10000x128xf32>
    %mul3A_65 = arith.constant 0.00999999977 : f32
    %mul3A_66 = vector.broadcast %mul3A_65 : f32 to vector<10000x128xf32>
    %mul3A_67 = arith.mulf %mul3A_66, %add3A_62 : vector<10000x128xf32>
    %select_n3A = arith.select %ge3A_64, %add3A_62, %mul3A_67 : vector<10000x128xi1>, vector<10000x128xf32>
    %ne3A = arith.cmpf one, %select_n3A, %select_n3A : vector<10000x128xf32>
    %jit3A = arith.constant 9.99999982E-15 : f32
    %broadcast_in_dim3A_68 = vector.broadcast %jit3A : f32 to vector<10000x128xf32>
    %select_n3A_69 = arith.select %ne3A, %broadcast_in_dim3A_68, %select_n3A : vector<10000x128xi1>, vector<10000x128xf32>
    %jit3A_70 = arith.constant -3.40282347E+38 : f32
    %jit3A_71 = arith.constant 3.40282347E+38 : f32
    %max3A_72 = vector.broadcast %jit3A_70 : f32 to vector<10000x128xf32>
    %max3A_73 = arith.maximumf %max3A_72, %select_n3A_69 : vector<10000x128xf32>
    %min3A = vector.broadcast %jit3A_71 : f32 to vector<10000x128xf32>
    %min3A_74 = arith.minimumf %min3A, %max3A_73 : vector<10000x128xf32>
    %swap3A = arith.constant 0 : index
    %swap3A_75 = arith.constant 0 : index
    %swap3A_76 = vector.load %arg8[%swap3A, %swap3A_75] : memref<10000x128xf32, #tpu.memory_space<vmem>>, vector<10000x128xf32>
    tpu.vector_store %arg8[%swap3A, %swap3A_75], %min3A_74 {strides = array<i32>} : memref<10000x128xf32, #tpu.memory_space<vmem>>, vector<10000x128xf32>,
    return
  }
}

module attributes {stable_mosaic.version = 14 : i64} {
  func.func @_mlp_body(%arg0: memref<8192x128xf32, #tpu.memory_space<vmem>>, %arg1: memref<4096x1xf32, #tpu.memory_space<vmem>>, %arg2: memref<64x128xf32, #tpu.memory_space<vmem>>, %arg3: memref<64x128xf32, #tpu.memory_space<vmem>>, %arg4: memref<1x64xf32, #tpu.memory_space<vmem>>, %arg5: memref<1x64xf32, #tpu.memory_space<vmem>>, %arg6: memref<64x64xf32, #tpu.memory_space<vmem>>, %arg7: memref<1x64xf32, #tpu.memory_space<vmem>>, %arg8: memref<1x64xf32, #tpu.memory_space<vmem>>, %arg9: memref<1x1xf32, #tpu.memory_space<vmem>>, %arg10: memref<4096x1xf32, #tpu.memory_space<vmem>>, %arg11: memref<4096x1xf32, #tpu.memory_space<vmem>>) attributes {dimension_semantics = [], scalar_prefetch = 0 : i64, scratch_operands = 0 : i64, tpu.core_type = #tpu.core_type<tc>} {
    %get3A = arith.constant 0 : index
    %get3A_0 = arith.constant 0 : index
    %get3A_1 = vector.load %arg0[%get3A, %get3A_0] : memref<8192x128xf32, #tpu.memory_space<vmem>>, vector<4096x128xf32>
    %get3A_2 = arith.constant 4096 : index
    %get3A_3 = arith.constant 0 : index
    %get3A_4 = vector.load %arg0[%get3A_2, %get3A_3] : memref<8192x128xf32, #tpu.memory_space<vmem>>, vector<4096x128xf32>
    %get3A_5 = arith.constant 0 : index
    %get3A_6 = arith.constant 0 : index
    %get3A_7 = vector.load %arg2[%get3A_5, %get3A_6] : memref<64x128xf32, #tpu.memory_space<vmem>>, vector<64x128xf32>
    %dot_general3A = arith.constant dense<0.000000e+00> : vector<4096x64xf32>
    %dot_general3A_8 = tpu.matmul %get3A_1, %get3A_7, %dot_general3A {dimension_numbers = #tpu.dot_dimension_numbers<[1], [1], [0], [0], [0, 0, 1, 0], [], []>, transpose_lhs_hint = false} : vector<4096x128xf32>, vector<64x128xf32>, vector<4096x64xf32> -> vector<4096x64xf32>
    %get3A_9 = arith.constant 0 : index
    %get3A_10 = arith.constant 0 : index
    %get3A_11 = vector.load %arg3[%get3A_9, %get3A_10] : memref<64x128xf32, #tpu.memory_space<vmem>>, vector<64x128xf32>
    %dot_general3A_12 = arith.constant dense<0.000000e+00> : vector<4096x64xf32>
    %dot_general3A_13 = tpu.matmul %get3A_4, %get3A_11, %dot_general3A_12 {dimension_numbers = #tpu.dot_dimension_numbers<[1], [1], [0], [0], [0, 0, 1, 0], [], []>, transpose_lhs_hint = false} : vector<4096x128xf32>, vector<64x128xf32>, vector<4096x64xf32> -> vector<4096x64xf32>
    %add3A = arith.addf %dot_general3A_8, %dot_general3A_13 : vector<4096x64xf32>
    %get3A_14 = arith.constant 0 : index
    %get3A_15 = arith.constant 0 : index
    %get3A_16 = vector.load %arg1[%get3A_14, %get3A_15] : memref<4096x1xf32, #tpu.memory_space<vmem>>, vector<4096x1xf32>
    %get3A_17 = arith.constant 0 : index
    %get3A_18 = arith.constant 0 : index
    %get3A_19 = vector.load %arg4[%get3A_17, %get3A_18] : memref<1x64xf32, #tpu.memory_space<vmem>>, vector<1x64xf32>
    %mul3A = vector.broadcast %get3A_16 : vector<4096x1xf32> to vector<4096x64xf32>
    %mul3A_20 = vector.broadcast %get3A_19 : vector<1x64xf32> to vector<4096x64xf32>
    %mul3A_21 = arith.mulf %mul3A, %mul3A_20 : vector<4096x64xf32>
    %add3A_22 = arith.addf %add3A, %mul3A_21 : vector<4096x64xf32>
    %get3A_23 = arith.constant 0 : index
    %get3A_24 = arith.constant 0 : index
    %get3A_25 = vector.load %arg5[%get3A_23, %get3A_24] : memref<1x64xf32, #tpu.memory_space<vmem>>, vector<1x64xf32>
    %add3A_26 = vector.broadcast %get3A_25 : vector<1x64xf32> to vector<4096x64xf32>
    %add3A_27 = arith.addf %add3A_22, %add3A_26 : vector<4096x64xf32>
    %ge3A = arith.constant 0.000000e+00 : f32
    %ge3A_28 = vector.broadcast %ge3A : f32 to vector<4096x64xf32>
    %ge3A_29 = arith.cmpf oge, %add3A_27, %ge3A_28 : vector<4096x64xf32>
    %mul3A_30 = arith.constant 0.00999999977 : f32
    %mul3A_31 = vector.broadcast %mul3A_30 : f32 to vector<4096x64xf32>
    %mul3A_32 = arith.mulf %mul3A_31, %add3A_27 : vector<4096x64xf32>
    %select_n3A = arith.select %ge3A_29, %add3A_27, %mul3A_32 : vector<4096x64xi1>, vector<4096x64xf32>
    %get3A_33 = arith.constant 0 : index
    %get3A_34 = arith.constant 0 : index
    %get3A_35 = vector.load %arg6[%get3A_33, %get3A_34] : memref<64x64xf32, #tpu.memory_space<vmem>>, vector<64x64xf32>
    %dot_general3A_36 = arith.constant dense<0.000000e+00> : vector<4096x64xf32>
    %dot_general3A_37 = tpu.matmul %select_n3A, %get3A_35, %dot_general3A_36 {dimension_numbers = #tpu.dot_dimension_numbers<[1], [1], [0], [0], [0, 0, 1, 0], [], []>, transpose_lhs_hint = false} : vector<4096x64xf32>, vector<64x64xf32>, vector<4096x64xf32> -> vector<4096x64xf32>
    %get3A_38 = arith.constant 0 : index
    %get3A_39 = arith.constant 0 : index
    %get3A_40 = vector.load %arg7[%get3A_38, %get3A_39] : memref<1x64xf32, #tpu.memory_space<vmem>>, vector<1x64xf32>
    %add3A_41 = vector.broadcast %get3A_40 : vector<1x64xf32> to vector<4096x64xf32>
    %add3A_42 = arith.addf %dot_general3A_37, %add3A_41 : vector<4096x64xf32>
    %ge3A_43 = arith.constant 0.000000e+00 : f32
    %ge3A_44 = vector.broadcast %ge3A_43 : f32 to vector<4096x64xf32>
    %ge3A_45 = arith.cmpf oge, %add3A_42, %ge3A_44 : vector<4096x64xf32>
    %mul3A_46 = arith.constant 0.00999999977 : f32
    %mul3A_47 = vector.broadcast %mul3A_46 : f32 to vector<4096x64xf32>
    %mul3A_48 = arith.mulf %mul3A_47, %add3A_42 : vector<4096x64xf32>
    %select_n3A_49 = arith.select %ge3A_45, %add3A_42, %mul3A_48 : vector<4096x64xi1>, vector<4096x64xf32>
    %get3A_50 = arith.constant 0 : index
    %get3A_51 = arith.constant 0 : index
    %get3A_52 = vector.load %arg8[%get3A_50, %get3A_51] : memref<1x64xf32, #tpu.memory_space<vmem>>, vector<1x64xf32>
    %mul3A_53 = vector.broadcast %get3A_52 : vector<1x64xf32> to vector<4096x64xf32>
    %mul3A_54 = arith.mulf %select_n3A_49, %mul3A_53 : vector<4096x64xf32>
    %reduce_sum3A = arith.constant dense<0.000000e+00> : vector<4096xf32>
    %reduce_sum3A_55 = vector.multi_reduction <add>, %mul3A_54, %reduce_sum3A [1] : vector<4096x64xf32> to vector<4096xf32>
    %broadcast_in_dim3A = vector.shape_cast %reduce_sum3A_55 : vector<4096xf32> to vector<4096x1xf32>
    %get3A_56 = arith.constant 0 : index
    %get3A_57 = arith.constant 0 : index
    %get3A_58 = vector.load %arg9[%get3A_56, %get3A_57] : memref<1x1xf32, #tpu.memory_space<vmem>>, vector<1x1xf32>
    %get3A_59 = vector.extract %get3A_58[0, 0] : f32 from vector<1x1xf32>
    %add3A_60 = vector.broadcast %get3A_59 : f32 to vector<4096x1xf32>
    %add3A_61 = arith.addf %broadcast_in_dim3A, %add3A_60 : vector<4096x1xf32>
    %reduce_max3A = vector.shape_cast %add3A_61 : vector<4096x1xf32> to vector<1x4096x1xf32>
    %reduce_max3A_62 = arith.constant dense<0xFF800000> : vector<1xf32>
    %reduce_max3A_63 = vector.multi_reduction <maximumf>, %reduce_max3A, %reduce_max3A_62 [1, 2] : vector<1x4096x1xf32> to vector<1xf32>
    %reduce_max3A_64 = vector.shape_cast %reduce_max3A_63 : vector<1xf32> to vector<1x1x1xf32>
    %reduce_max3A_65 = vector.extract %reduce_max3A_64[0, 0, 0] : f32 from vector<1x1x1xf32>
    %sub3A = vector.broadcast %reduce_max3A_65 : f32 to vector<4096x1xf32>
    %sub3A_66 = arith.subf %add3A_61, %sub3A : vector<4096x1xf32>
    %exp3A = math.exp %sub3A_66 : vector<4096x1xf32>
    %reduce_sum3A_67 = vector.shape_cast %exp3A : vector<4096x1xf32> to vector<1x4096x1xf32>
    %reduce_sum3A_68 = arith.constant dense<0.000000e+00> : vector<1xf32>
    %reduce_sum3A_69 = vector.multi_reduction <add>, %reduce_sum3A_67, %reduce_sum3A_68 [1, 2] : vector<1x4096x1xf32> to vector<1xf32>
    %reduce_sum3A_70 = vector.shape_cast %reduce_sum3A_69 : vector<1xf32> to vector<1x1x1xf32>
    %reduce_sum3A_71 = vector.extract %reduce_sum3A_70[0, 0, 0] : f32 from vector<1x1x1xf32>
    %div3A = vector.broadcast %reduce_sum3A_71 : f32 to vector<4096x1xf32>
    %div3A_72 = arith.divf %exp3A, %div3A : vector<4096x1xf32>
    %swap3A = arith.constant 0 : index
    %swap3A_73 = arith.constant 0 : index
    %swap3A_74 = vector.load %arg11[%swap3A, %swap3A_73] : memref<4096x1xf32, #tpu.memory_space<vmem>>, vector<4096x1xf32>
    tpu.vector_store %arg11[%swap3A, %swap3A_73], %div3A_72 {strides = array<i32>} : memref<4096x1xf32, #tpu.memory_space<vmem>>, vector<4096x1xf32>,
    %swap3A_75 = arith.constant 0 : index
    %swap3A_76 = arith.constant 0 : index
    %swap3A_77 = vector.load %arg10[%swap3A_75, %swap3A_76] : memref<4096x1xf32, #tpu.memory_space<vmem>>, vector<4096x1xf32>
    tpu.vector_store %arg10[%swap3A_75, %swap3A_76], %add3A_61 {strides = array<i32>} : memref<4096x1xf32, #tpu.memory_space<vmem>>, vector<4096x1xf32>,
    return
  }
}

</mosaic_0001>

<sc_bundles>
// kernel: kernel.12.cloned.1.call-start
scs
__scs_entry_jumppad:
0x0: {  	(pc) =	sbr.rel $0x88, $3  }
0x1: {  	(tag) =	ssettag $0x0;
	lr =	simm.s32 $0x1  }
0x2: {  	[smem:$0x3F8D] =	sst lr;
	_ =	strace $0xD0000000  }
0x3: {  	_ = 	snop  }
0x4: {  	_ = 	snop  }
0x5: {  	_ = 	snop  }
0x6: {  	_ = 	snop  }
0x7: {  	_ = 	snop  }
__scs_overlays_trampoline_lowered:
0x8: {  	[smem:$0x3F9C] =	sst s0  }
0x9: {  	[smem:$0x3F9D] =	sst s1  }
0xa: {  	[smem:$0x3F9E] =	sst s2  }
0xb: {  	[smem:$0x3F9F] =	sst s3  }
0xc: {  	[smem:$0x3FA0] =	sst s4  }
0xd: {  	[smem:$0x3FA1] =	sst s5  }
0xe: {  	[smem:$0x3FA2] =	sst s6  }
0xf: {  	[smem:$0x3FA3] =	sst s7  }
0x10: {  	[smem:$0x3FA4] =	sst s8  }
0x11: {  	[smem:$0x3FA5] =	sst s9;
	s0 =	simm.s32 @!p0 $0x0  }
0x12: {  	s1 =	sld [smem:$0x3F8B];
	s0 =	simm.s32 @p0 $0x1  }
0x13: {  	[smem:$0x3FA6] =	sst s0;
	s0 =	simm.s32 @!p1 $0x0  }
0x14: {  	s2 =	sld [smem:$0x3F8A];
	s0 =	simm.s32 @p1 $0x1  }
0x15: {  	[smem:$0x3FA7] =	sst s0;
	s0 =	simm.s32 @!p2 $0x0  }
0x16: {  	s3 =	sld [smem:$0x3FDB];
	s0 =	simm.s32 @p2 $0x1  }
0x17: {  	s4 =	simm.s32 $0x1BF5;
	[smem:$0x3FA9] =	sst s0  }
0x18: {  	s0 =	sld [smem:$0x3F8C];
	_ =	swait.ge [sflag:s4], $0x0  }
0x19: {  	s7 =	sld [smem:$0x3F8D]  }
0x1a: {  	s8 =	sadd.s32 $0xFFFFE003, lr  }
0x1b: {  	s9 =	sadd.s32 $0xFFFFFEF7, lr;
	s5 =	simm.s32 $0xFFFFFFFF;
	p2 =	slt.u32 s8, $0xFFFFF086  }
0x1c: {  	p1 =	slt.u32 s9, $0xF7A;
	s5 =	simm.s32 @!p2 $0x0  }
0x1d: {  	s5 =	simm.s32 @p1 $0x1;
	p0 =	seq.s32 s7, s2  }
0x1e: {  	s7 =	smul.u32 @!p0 $0xF7A, s2;
	p2 =	seq.s32 @!p0 s5, $0x0  }
0x1f: {  	s9 =	smul.u32 $0xF7A, s1;
	s8 =	simm.s32 @!p0 $0x1BF5;
	p2 =	por !p2, p0  }
0x20: {  	[sflag:s8] =	ssyncset.s32 @!p0 $0xFFFFF086;
	s6 =	sadd.s32 @!p0 s3, s7;
	s7 =	simm.s32 @!p0 $0x108  }
0x21: {  	s3 =	sadd.s32 s3, s9;
	s6 =	sadd.s32 @!p0 $0x88, s6;
	s7 =	simm.s32 @p2 $0x1082  }
0x22: {  	[simem:s7], [sflag:s8] =	dma.local @!p0 [hbm:s6], $0xF7A  }
0x23: {  	s9 =	sor.u32 $0xD0000000, s2;
	s6 =	simm.s32 $0x108;
	_ =	swait.ge @!p0 [sflag:s8], $0x0  }
0x24: {  	s3 =	sadd.s32 $0x88, s3;
	s6 =	simm.s32 @!p1 $0x1082;
	[sflag:s4] =	ssyncset.s32 $0xFFFFF086  }
0x25: {  	[simem:s6], [sflag:s4] =	dma.local [hbm:s3], $0xF7A  }
0x26: {  	[smem:$0x3F8D] =	sst s1;
	(tag) =	ssettag s2;
	_ =	strace s9  }
0x27: {  	s1 =	sld [smem:$0x3F9D]  }
0x28: {  	s2 =	sld [smem:$0x3F9E]  }
0x29: {  	s4 =	sld [smem:$0x3FA0]  }
0x2a: {  	p0 =	seq.s32 s5, $0x0;
	s5 =	sld [smem:$0x3FA1]  }
0x2b: {  	s6 =	sld [smem:$0x3FA2]  }
0x2c: {  	s7 =	sld [smem:$0x3FA3]  }
0x2d: {  	s3 =	simm.s32 $0x108;
	s8 =	sld [smem:$0x3FA4]  }
0x2e: {  	s3 =	simm.s32 @!p0 $0x1082;
	s9 =	sld [smem:$0x3FA5]  }
0x2f: {  	lr =	sadd.s32 s0, s3;
	s0 =	sld [smem:$0x3F9C]  }
0x30: {  	s3 =	sld [smem:$0x3F9F]  }
0x31: {  	[smem:$0x3FA8] =	sst s10  }
0x32: {  	s10 =	sld [smem:$0x3FA6];
	_ =	sdelay $0x3  }
0x33: {  	p0 =	seq.s32 s10, $0x1;
	s10 =	sld [smem:$0x3FA8];
	_ =	sdelay $0x3  }
0x34: {  	[smem:$0x3FA8] =	sst s10  }
0x35: {  	s10 =	sld [smem:$0x3FA7];
	_ =	sdelay $0x3  }
0x36: {  	p1 =	seq.s32 s10, $0x1;
	s10 =	sld [smem:$0x3FA8];
	_ =	sdelay $0x3  }
0x37: {  	[smem:$0x3FA8] =	sst s10  }
0x38: {  	s10 =	sld [smem:$0x3FA9]  }
0x39: {  	_ = 	snop;
	(pc) =	sbr.ind lr, $3  }
0x3a: {  	_ = 	snop  }
0x3b: {  	_ = 	snop  }
0x3c: {  	p2 =	seq.s32 s10, $0x1;
	s10 =	sld [smem:$0x3FA8]  }
0x3d: {  	_ =	shalt  }
0x3e: {  	_ =	shalt  }
0x3f: {  	_ =	shalt  }
0x40: {  	_ =	shalt  }
0x41: {  	_ =	shalt  }
0x42: {  	_ =	shalt  }
0x43: {  	_ =	shalt  }
0x44: {  	_ =	shalt  }
0x45: {  	_ =	shalt  }
0x46: {  	_ =	shalt  }
0x47: {  	_ =	shalt  }
0x48: {  	_ =	shalt  }
0x49: {  	_ =	shalt  }
0x4a: {  	_ =	shalt  }
0x4b: {  	_ =	shalt  }
0x4c: {  	_ =	shalt  }
0x4d: {  	_ =	shalt  }
0x4e: {  	_ =	shalt  }
0x4f: {  	_ =	shalt  }
0x50: {  	_ =	shalt  }
0x51: {  	_ =	shalt  }
0x52: {  	_ =	shalt  }
0x53: {  	_ =	shalt  }
0x54: {  	_ =	shalt  }
0x55: {  	_ =	shalt  }
0x56: {  	_ =	shalt  }
0x57: {  	_ =	shalt  }
0x58: {  	_ =	shalt  }
0x59: {  	_ =	shalt  }
0x5a: {  	_ =	shalt  }
0x5b: {  	_ =	shalt  }
0x5c: {  	_ =	shalt  }
0x5d: {  	_ =	shalt  }
0x5e: {  	_ =	shalt  }
0x5f: {  	_ =	shalt  }
0x60: {  	_ =	shalt  }
0x61: {  	_ =	shalt  }
0x62: {  	_ =	shalt  }
0x63: {  	_ =	shalt  }
0x64: {  	_ =	shalt  }
0x65: {  	_ =	shalt  }
0x66: {  	_ =	shalt  }
0x67: {  	_ =	shalt  }
0x68: {  	_ =	shalt  }
0x69: {  	_ =	shalt  }
0x6a: {  	_ =	shalt  }
0x6b: {  	_ =	shalt  }
0x6c: {  	_ =	shalt  }
0x6d: {  	_ =	shalt  }
0x6e: {  	_ =	shalt  }
0x6f: {  	_ =	shalt  }
0x70: {  	_ =	shalt  }
0x71: {  	_ =	shalt  }
0x72: {  	_ =	shalt  }
0x73: {  	_ =	shalt  }
0x74: {  	_ =	shalt  }
0x75: {  	_ =	shalt  }
0x76: {  	_ =	shalt  }
0x77: {  	_ =	shalt  }
0x78: {  	_ =	shalt  }
0x79: {  	_ =	shalt  }
0x7a: {  	_ =	shalt  }
0x7b: {  	_ =	shalt  }
0x7c: {  	_ =	shalt  }
0x7d: {  	_ =	shalt  }
0x7e: {  	_ =	shalt  }
0x7f: {  	_ =	shalt  }
0x80: {  	_ =	shalt  }
0x81: {  	_ =	shalt  }
0x82: {  	_ =	shalt  }
0x83: {  	_ =	shalt  }
0x84: {  	_ =	shalt  }
0x85: {  	_ =	shalt  }
0x86: {  	_ =	shalt  }
0x87: {  	_ =	shalt  }
.Lfunc_end0:
.L_simem_size_0:
called_computation.1_lowered:
.L_overlay_start_0:
0x88: {  	s2 =	sld [smem:$0x3FD9]  }
0x89: {  	s3 =	sld [smem:$0x3FFE];
	_ =	sdelay $0x1  }
0x8a: {  	s1 =	srdreg.scid  }
0x8b: {  	s0 =	sand.u32 $0x1, s1  }
0x8c: {  	s17 =	sshll.u32 s0, $0xA;
	s2 =	sadd.s32 s3, s2  }
0x8d: {  	s2 =	sadd.s32 s2, s17  }
0x8e: {  	[smem:$0x3FB4] =	sst s2  }
0x8f: {  	_ = 	snop  }
0x90: {  	s18 =	sld [smem:$0x3FC9];
	(tm) =	ssettm $0x1  }
0x91: {  	s19 =	sld [smem:$0x3FFB];
	_ =	sdelay $0x3  }
0x92: {  	_ =	strace s19  }
0x93: {  	s2 =	sld [smem:$0x3FFC];
	_ =	sdelay $0x3  }
0x94: {  	_ =	strace s2  }
0x95: {  	s2 =	sld [smem:$0x3FFD];
	_ =	sdelay $0x3  }
0x96: {  	_ =	strace s2  }
0x97: {  	_ =	strace $0x8FFFFFFF  }
0x98: {  	s20 =	sld [smem:$0x3FDB];
	_ =	sdelay $0x1  }
0x99: {  	s4 =	simm.s32 $_scs_section_size  }
0x9a: {  	s5 =	simm.s32 $_size__tile_overlayer_lowered;
	s6 =	simm.s32 $_tile_overlayer_lowered  }
0x9b: {  	s7 =	simm.s32 $0x1BFF;
	s21 =	sshll.u32 s6, $0x1;
	s4 =	sadd.s32 s4, s20  }
0x9c: {  	s22 =	simm.s32 $0x0;
	s5 =	sshll.u32 s5, $0x1;
	s6 =	sadd.s32 s21, s4  }
0x9d: {  	[timem:s22], [sflag:s7] =	dma.local [hbm:s6], s5  }
0x9e: {  	_ =	swait.ge [sflag:s7], s5  }
0x9f: {  	s5 =	ssub.s32 $0x0, s5;
	[sflag:s7] =	ssyncset.done $0x0  }
0xa0: {  	[sflag:s7] =	ssyncadd.s32 s5;
	_ =	sdelay $0x1  }
0xa1: {  	s23 =	simm.s32 $0x1B8B  }
0xa2: {  	_ =	swait.ge [sflag:s23], $0x1  }
0xa3: {  	[sflag:s23] =	ssyncset.done $0x0  }
0xa4: {  	[sflag:s23] =	ssyncadd.s32 $0xFFFFFFFF  }
0xa5: {  	s5 =	sld [smem:$0x0]  }
0xa6: {  	s6 =	sand.u32 $0xFFFFFFFE, s1  }
0xa7: {  	p0 =	sne.s32 s1, s6  }
0xa8: {  	s6 =	sshll.u32 @p0 s6, $0xE  }
0xa9: {  	s6 =	sadd.s32 @p0 $0x11B8D, s6;
	s7 =	sshll.u32 @p0 s5, $0x11  }
0xaa: {  	s6 =	sor.u32 @p0 s7, s6  }
0xab: {  	[sflag:s6] =	ssyncadd.remote.s32 @p0 $0x1;
	_ =	sdelay $0x1  }
0xac: {  	s6 =	simm.s32 @p0 $0x1B8D  }
0xad: {  	_ =	swait.eq @p0 [sflag:s6], $0x1  }
0xae: {  	[sflag:s6] =	ssyncadd.s32 @p0 $0xFFFFFFFF  }
0xaf: {  	s7 =	sshll.u32 @!p0 s1, $0xE  }
0xb0: {  	s7 =	sor.u32 @!p0 $0x4000, s7;
	s6 =	simm.s32 @!p0 $0x1B8D  }
0xb1: {  	s5 =	sshll.u32 @!p0 s5, $0x11;
	s7 =	sadd.s32 @!p0 $0x11B8D, s7;
	_ =	swait.eq @!p0 [sflag:s6], $0x1  }
0xb2: {  	s5 =	sor.u32 @!p0 s5, s7;
	[sflag:s6] =	ssyncadd.s32 @!p0 $0xFFFFFFFF  }
0xb3: {  	s25 =	simm.s32 $0x1B8E;
	s24 =	sld [smem:$0x3FFE];
	[sflag:s5] =	ssyncadd.remote.s32 @!p0 $0x1  }
0xb4: {  	s26 =	simm.s32 $execute0_lowered;
	[smem:$0x3FD2] =	sst s25  }
0xb5: {  	s6 =	sshll.u32 s26, $0x1;
	_ =	strace $0x80000049;
	[dreg:$0x1] =	wrdreg $0xFFFFFFFF  }
0xb6: {  	s28 =	simm.s32 $_size_execute0_lowered;
	s4 =	sadd.s32 s4, s6;
	[dreg:$0x0] =	wrdreg $0x0  }
0xb7: {  	s6 =	sshll.u32 s28, $0x1;
	[dreg:$0x2] =	wrdreg s4  }
0xb8: {  	[dreg:$0x3] =	wrdreg s6  }
0xb9: {  	[dreg:$0x4] =	wrdreg $0xC0  }
0xba: {  	_ =	task [dreg:s22], $0x5FFFF  }
0xbb: {  	[dreg:$0x1] =	wrdreg $0xFFFFFFFF  }
0xbc: {  	[dreg:$0x0] =	wrdreg $0x60  }
0xbd: {  	[dreg:$0x2] =	wrdreg s18  }
0xbe: {  	[dreg:$0x3] =	wrdreg s24  }
0xbf: {  	[dreg:$0x4] =	wrdreg $0x50000  }
0xc0: {  	[dreg:$0x5] =	wrdreg $0xA  }
0xc1: {  	_ =	task.clear_ibuf [dreg:s22], $0x6FFFF;
	_ =	strace $0x90000049  }
0xc2: {  	s29 =	simm.s32 $0xA;
	_ =	strace $0x8000004B  }
0xc3: {  	_ =	swait.ge [sflag:s29], $0x1  }
0xc4: {  	[sflag:s29] =	ssyncadd.s32 $0xFFFFFFFF  }
0xc5: {  	_ =	strace $0x9000004B  }
0xc6: {  	_ =	sfence  }
0xc7: {  	s30 =	sld [smem:$0x0];
	_ =	sdelay $0x2  }
0xc8: {  	s31 =	sshll.u32 s1, $0xD;
	s1 =	sshrl.u32 s1, $0x2  }
0xc9: {  	s4 =	sand.u32 $0x4000, s31;
	s1 =	sadd.s32 s1, s30  }
0xca: {  	s0 =	sor.u32 s4, s0;
	s1 =	sshll.u32 s1, $0x11  }
0xcb: {  	s0 =	sor.u32 s1, s0  }
0xcc: {  	s0 =	sadd.s32 $0x8F2B, s0  }
0xcd: {  	[sflag:s0] =	ssyncadd.remote.s32 $0x1  }
0xce: {  	_ =	sfence.sel $0xFFFF  }
0xcf: {  	[dreg:$0x0] =	wrdreg $0xFFFFFFFF;
	(pc) =	sbr.abs _section_cstart, $3  }
0xd0: {  	[dreg:$0x1] =	wrdreg $0xFFFFFFFF  }
0xd1: {  	_ =	task.clear_ibuf [dreg:s22], $0x2FFFF;
	_ =	strace $0x9FFFFFFF  }
0xd2: {  	(tm) =	ssettm $0x7FFFFFFF  }
0xd3: {  	_ =	shalt  }
tec
execute0_lowered:
.L_overlay_start_1:
0x0: {  	(tag) =	ssettag $0x1  }
0x1: {  	s1 =	rddreg [dreg:$0x0]  }
0x2: {  	s2 =	srdreg.scid;
	s5 =	rddreg [dreg:$0x1]  }
0x3: {  	s0 =	stileid.u32;
	s3 =	rddreg [dreg:$0x2];
	s4 =	simm.s32 $0x0  }
0x4: {  	s13 =	simm.s32 $0x7D;
	s14 =	simm.s32 $0x18C00;
	s15 =	simm.s32 $0x2  }
0x5: {  	s6 =	sand.u32 $0x1, s2;
	s2 =	rddreg [dreg:$0x3];
	s16 =	smul.u32 $0x2780, s0  }
0x6: {  	s29 =	sshll.u32 s0, $0x1;
	[smem:$0x7FF] =	sst s4;
	s9 =	smul.u32 $0x4F000, s0  }
0x7: {  	s31 =	sshll.u32 s0, $0x6;
	s7 =	sor.u32 s6, s29;
	s8 =	smul.u32 $0x27800, s6  }
0x8: {  	_ =	strace $0x8000004A;
	s6 =	ssub.s32 $0x2, s6;
	s7 =	smul.u32 $0x500, s7  }
0x9: {  	s10 =	sadd.s32 s16, s5;
	s30 =	sshrl.u32 s6, $0x1;
	s9 =	sshrl.u32 s9, $0x2  }
0xa: {  	s8 =	sadd.s32 s8, s5;
	s11 =	ssub.s32 s6, s30;
	s12 =	sadd.s32 s9, s3  }
0xb: {  	s9 =	simm.s32 $0x1;
	s7 =	sadd.s32 s7, s5;
	s17 =	sadd.s32 $0x98C00, s8  }
0xc: {  	s8 =	smax.u32 s11, $0x1;
	s11 =	sor.u32 $0x1C01, s31;
	s12 =	sshrl.u32 s12, $0x3  }
0xd: {  	s5 =	sadd.s32 $0x67400, s7;
	s6 =	sadd.s32 $0x5D400, s7;
	s7 =	sadd.s32 $0x71400, s10  }
0xe: {  	s10 =	simm.s32 $0x2800;
	s16 =	sadd.s32 s16, s17;
	s17 =	simm.s32 $0x0  }
.LBB2_1:
0xf: {  	[tilespmem:s4], [sflag:$0x1] =	stream.linear.gather [hbm4b:s5+s4], $0x2800, $0x38;
	[tilespmem:$0x1CA80] =	vst v63  }
0x10: {  	_ =	swait.ge [sflag:s9], $0x2800  }
0x11: {  	[sflag:s9] =	ssyncset.done $0x0  }
0x12: {  	[sflag:s9] =	ssyncadd.s32 $0xFFFFD800  }
0x13: {  	[tilespmem:s10], [sflag:$0x1] =	stream.linear.gather [hbm4b:s6+s4], $0x2800, $0x38;
	[tilespmem:$0x1CA80] =	vst v63  }
0x14: {  	_ =	swait.ge [sflag:s9], $0x2800  }
0x15: {  	[sflag:s9] =	ssyncset.done $0x0  }
0x16: {  	[sflag:s9] =	ssyncadd.s32 $0xFFFFD800  }
0x17: {  	[spmem:s12], [sflag:s11] =	dma.local [hbm:s7], $0x2780  }
0x18: {  	_ =	swait.ge [sflag:s9], $0x2780  }
0x19: {  	[sflag:s9] =	ssyncset.done $0x0  }
0x1a: {  	[sflag:s9] =	ssyncadd.s32 $0xFFFFD880  }
0x1b: {  	s18 =	simm.s32 $0x0;
	[bflag:$0x0] =	sbarrier.arrive $0xFFFF  }
0x1c: {  	[tilespmem:s14], [sflag:$0x1] =	stream.indirect.gather [hbm4b:s1+s13], $0x80, s18, s13, $0xb8;
	[tilespmem:$0x1CA80] =	vst v63  }
0x1d: {  	_ =	swait.ge [sflag:s9], $0x3E80  }
0x1e: {  	[sflag:s9] =	ssyncset.done $0x0  }
0x1f: {  	s30 =	simm.s32 $0x2800;
	[sflag:s9] =	ssyncadd.s32 $0xFFFFC180  }
0x20: {  	[spmem:s3] =	stream.indirect.scatter.add.f32 [tilespmem:s14], [sflag:$0x2], $0x80, s30, s13, $0xb8;
	[tilespmem:$0x1CA80] =	vst v63  }
0x21: {  	_ =	swait.ge [sflag:s15], $0x3E80  }
0x22: {  	[sflag:s15] =	ssyncset.done $0x0  }
0x23: {  	s31 =	simm.s32 $0x80;
	[sflag:s15] =	ssyncadd.s32 $0xFFFFC180  }
0x24: {  	[tilespmem:s14], [sflag:$0x1] =	stream.indirect.gather [hbm4b:s1+s13], $0x80, s31, s13, $0xb8;
	[tilespmem:$0x1CA80] =	vst v63  }
0x25: {  	_ =	swait.ge [sflag:s9], $0x3E80  }
0x26: {  	[sflag:s9] =	ssyncset.done $0x0  }
0x27: {  	s18 =	simm.s32 $0x2880;
	[sflag:s9] =	ssyncadd.s32 $0xFFFFC180  }
0x28: {  	[spmem:s3] =	stream.indirect.scatter.add.f32 [tilespmem:s14], [sflag:$0x2], $0x80, s18, s13, $0xb8;
	[tilespmem:$0x1CA80] =	vst v63  }
0x29: {  	_ =	swait.ge [sflag:s15], $0x3E80  }
0x2a: {  	s19 =	simm.s32 $0x0;
	s20 =	simm.s32 $0x180;
	[sflag:s15] =	ssyncset.done $0x0  }
.LBB2_2:
0x2b: {  	s21 =	sadd.s32 $0xFFFFFF80, s20;
	[sflag:s15] =	ssyncadd.s32 $0xFFFFC180  }
0x2c: {  	[tilespmem:s14], [sflag:$0x1] =	stream.indirect.gather [hbm4b:s1+s13], $0x80, s21, s13, $0xb8;
	[tilespmem:$0x1CA80] =	vst v63  }
0x2d: {  	_ =	swait.ge [sflag:s9], $0x3E80  }
0x2e: {  	s18 =	sadd.s32 $0x100, s18;
	[sflag:s9] =	ssyncset.done $0x0  }
0x2f: {  	s21 =	sadd.s32 $0xFFFFFF80, s18;
	[sflag:s9] =	ssyncadd.s32 $0xFFFFC180  }
0x30: {  	[spmem:s3] =	stream.indirect.scatter.add.f32 [tilespmem:s14], [sflag:$0x2], $0x80, s21, s13, $0xb8;
	[tilespmem:$0x1CA80] =	vst v63  }
0x31: {  	_ =	swait.ge [sflag:s15], $0x3E80  }
0x32: {  	s19 =	sadd.s32 $0x2, s19;
	[sflag:s15] =	ssyncset.done $0x0  }
0x33: {  	p0 =	slt.u32 s19, $0x4E;
	[sflag:s15] =	ssyncadd.s32 $0xFFFFC180  }
0x34: {  	[tilespmem:s14], [sflag:$0x1] =	stream.indirect.gather [hbm4b:s1+s13], $0x80, s20, s13, $0xb8;
	[tilespmem:$0x1CA80] =	vst v63  }
0x35: {  	_ =	swait.ge [sflag:s9], $0x3E80  }
.Ltmp0:
0x36: {  	[sflag:s9] =	ssyncset.done $0x0;
	(pc) =	sbr.rel @p0 .LBB2_2-.Ltmp0, $4  }
0x37: {  	[sflag:s9] =	ssyncadd.s32 $0xFFFFC180  }
0x38: {  	[spmem:s3] =	stream.indirect.scatter.add.f32 [tilespmem:s14], [sflag:$0x2], $0x80, s18, s13, $0xb8;
	[tilespmem:$0x1CA80] =	vst v63  }
0x39: {  	_ =	swait.ge [sflag:s15], $0x3E80  }
0x3a: {  	s20 =	sadd.s32 $0x100, s20;
	[sflag:s15] =	ssyncset.done $0x0  }
0x3b: {  	s17 =	sadd.s32 $0x1, s17  }
0x3c: {  	[sflag:s15] =	ssyncadd.s32 $0xFFFFC180;
	p0 =	sne.s32 s17, s8  }
.Ltmp1:
0x3d: {  	[bflag:$0x0] =	sbarrier.arrive $0xFFFF;
	(pc) =	sbr.rel @p0 .LBB2_1-.Ltmp1, $4  }
0x3e: {  	[hbm:s16], [sflag:s11] =	dma.local [spmem:s12], $0x2780  }
0x3f: {  	_ =	swait.ge [sflag:s9], $0x2780  }
0x40: {  	[sflag:s9] =	ssyncset.done $0x0  }
0x41: {  	[sflag:s9] =	ssyncadd.s32 $0xFFFFD880  }
0x42: {  	_ =	sfence.sel $0x180000  }
0x43: {  	[bflag:$0x0] =	sbarrier.arrive $0xFFFF  }
0x44: {  	p0 =	sne.s32 s0, $0x0;
	_ =	strace $0x9000004A  }
0x45: {  	s0 =	sadd.s32 @!p0 $0x100000, s2;
	[bflag:$0x2] =	sbarrier.arrive $0xFFFF  }
0x46: {  	[sflag:s0] =	ssyncadd.tile.s32 @!p0 $0x1;
	_ =	shalt  }
.Lfunc_end2:
_tile_overlayer_lowered:
.L_overlay_start_2:
0x47: {  	(tag) =	ssettag $0x2  }
0x48: {  	s0 =	rddreg [dreg:$0x0];
	s2 =	stileid.u32  }
0x49: {  	s1 =	rddreg [dreg:$0x1];
	p0 =	sne.s32 s2, $0x0  }
0x4a: {  	s3 =	rddreg [dreg:$0x2];
	[bflag:$0x3] =	sbarrier.arrive $0xFFFF;
	s2 =	simm.s32 @!p0 $0x1C01  }
0x4b: {  	[timem:s3], [sflag:s2] =	dma.local @!p0 [hbm:s0], s1  }
0x4c: {  	s0 =	simm.s32 @!p0 $0x1  }
0x4d: {  	_ =	swait.ge @!p0 [sflag:s0], s1  }
0x4e: {  	s1 =	ssub.s32 @!p0 $0x0, s1;
	[sflag:s0] =	ssyncset.done @!p0 $0x0  }
0x4f: {  	[sflag:s0] =	ssyncadd.s32 @!p0 s1  }
0x50: {  	[bflag:$0x3] =	sbarrier.arrive $0xFFFF  }
0x51: {  	_ =	shalt  }

// kernel: kernel.15.cloned.1.call-start
scs
__scs_entry_jumppad:
0x0: {  	(pc) =	sbr.rel $0x88, $3  }
0x1: {  	(tag) =	ssettag $0x0;
	lr =	simm.s32 $0x1  }
0x2: {  	[smem:$0x3F8D] =	sst lr;
	_ =	strace $0xD0000000  }
0x3: {  	_ = 	snop  }
0x4: {  	_ = 	snop  }
0x5: {  	_ = 	snop  }
0x6: {  	_ = 	snop  }
0x7: {  	_ = 	snop  }
__scs_overlays_trampoline_lowered:
0x8: {  	[smem:$0x3F9C] =	sst s0  }
0x9: {  	[smem:$0x3F9D] =	sst s1  }
0xa: {  	[smem:$0x3F9E] =	sst s2  }
0xb: {  	[smem:$0x3F9F] =	sst s3  }
0xc: {  	[smem:$0x3FA0] =	sst s4  }
0xd: {  	[smem:$0x3FA1] =	sst s5  }
0xe: {  	[smem:$0x3FA2] =	sst s6  }
0xf: {  	[smem:$0x3FA3] =	sst s7  }
0x10: {  	[smem:$0x3FA4] =	sst s8  }
0x11: {  	[smem:$0x3FA5] =	sst s9;
	s0 =	simm.s32 @!p0 $0x0  }
0x12: {  	s1 =	sld [smem:$0x3F8B];
	s0 =	simm.s32 @p0 $0x1  }
0x13: {  	[smem:$0x3FA6] =	sst s0;
	s0 =	simm.s32 @!p1 $0x0  }
0x14: {  	s2 =	sld [smem:$0x3F8A];
	s0 =	simm.s32 @p1 $0x1  }
0x15: {  	[smem:$0x3FA7] =	sst s0;
	s0 =	simm.s32 @!p2 $0x0  }
0x16: {  	s3 =	sld [smem:$0x3FDB];
	s0 =	simm.s32 @p2 $0x1  }
0x17: {  	s4 =	simm.s32 $0x1BF5;
	[smem:$0x3FA9] =	sst s0  }
0x18: {  	s0 =	sld [smem:$0x3F8C];
	_ =	swait.ge [sflag:s4], $0x0  }
0x19: {  	s7 =	sld [smem:$0x3F8D]  }
0x1a: {  	s8 =	sadd.s32 $0xFFFFE003, lr  }
0x1b: {  	s9 =	sadd.s32 $0xFFFFFEF7, lr;
	s5 =	simm.s32 $0xFFFFFFFF;
	p2 =	slt.u32 s8, $0xFFFFF086  }
0x1c: {  	p1 =	slt.u32 s9, $0xF7A;
	s5 =	simm.s32 @!p2 $0x0  }
0x1d: {  	s5 =	simm.s32 @p1 $0x1;
	p0 =	seq.s32 s7, s2  }
0x1e: {  	s7 =	smul.u32 @!p0 $0xF7A, s2;
	p2 =	seq.s32 @!p0 s5, $0x0  }
0x1f: {  	s9 =	smul.u32 $0xF7A, s1;
	s8 =	simm.s32 @!p0 $0x1BF5;
	p2 =	por !p2, p0  }
0x20: {  	[sflag:s8] =	ssyncset.s32 @!p0 $0xFFFFF086;
	s6 =	sadd.s32 @!p0 s3, s7;
	s7 =	simm.s32 @!p0 $0x108  }
0x21: {  	s3 =	sadd.s32 s3, s9;
	s6 =	sadd.s32 @!p0 $0x88, s6;
	s7 =	simm.s32 @p2 $0x1082  }
0x22: {  	[simem:s7], [sflag:s8] =	dma.local @!p0 [hbm:s6], $0xF7A  }
0x23: {  	s9 =	sor.u32 $0xD0000000, s2;
	s6 =	simm.s32 $0x108;
	_ =	swait.ge @!p0 [sflag:s8], $0x0  }
0x24: {  	s3 =	sadd.s32 $0x88, s3;
	s6 =	simm.s32 @!p1 $0x1082;
	[sflag:s4] =	ssyncset.s32 $0xFFFFF086  }
0x25: {  	[simem:s6], [sflag:s4] =	dma.local [hbm:s3], $0xF7A  }
0x26: {  	[smem:$0x3F8D] =	sst s1;
	(tag) =	ssettag s2;
	_ =	strace s9  }
0x27: {  	s1 =	sld [smem:$0x3F9D]  }
0x28: {  	s2 =	sld [smem:$0x3F9E]  }
0x29: {  	s4 =	sld [smem:$0x3FA0]  }
0x2a: {  	p0 =	seq.s32 s5, $0x0;
	s5 =	sld [smem:$0x3FA1]  }
0x2b: {  	s6 =	sld [smem:$0x3FA2]  }
0x2c: {  	s7 =	sld [smem:$0x3FA3]  }
0x2d: {  	s3 =	simm.s32 $0x108;
	s8 =	sld [smem:$0x3FA4]  }
0x2e: {  	s3 =	simm.s32 @!p0 $0x1082;
	s9 =	sld [smem:$0x3FA5]  }
0x2f: {  	lr =	sadd.s32 s0, s3;
	s0 =	sld [smem:$0x3F9C]  }
0x30: {  	s3 =	sld [smem:$0x3F9F]  }
0x31: {  	[smem:$0x3FA8] =	sst s10  }
0x32: {  	s10 =	sld [smem:$0x3FA6];
	_ =	sdelay $0x3  }
0x33: {  	p0 =	seq.s32 s10, $0x1;
	s10 =	sld [smem:$0x3FA8];
	_ =	sdelay $0x3  }
0x34: {  	[smem:$0x3FA8] =	sst s10  }
0x35: {  	s10 =	sld [smem:$0x3FA7];
	_ =	sdelay $0x3  }
0x36: {  	p1 =	seq.s32 s10, $0x1;
	s10 =	sld [smem:$0x3FA8];
	_ =	sdelay $0x3  }
0x37: {  	[smem:$0x3FA8] =	sst s10  }
0x38: {  	s10 =	sld [smem:$0x3FA9]  }
0x39: {  	_ = 	snop;
	(pc) =	sbr.ind lr, $3  }
0x3a: {  	_ = 	snop  }
0x3b: {  	_ = 	snop  }
0x3c: {  	p2 =	seq.s32 s10, $0x1;
	s10 =	sld [smem:$0x3FA8]  }
0x3d: {  	_ =	shalt  }
0x3e: {  	_ =	shalt  }
0x3f: {  	_ =	shalt  }
0x40: {  	_ =	shalt  }
0x41: {  	_ =	shalt  }
0x42: {  	_ =	shalt  }
0x43: {  	_ =	shalt  }
0x44: {  	_ =	shalt  }
0x45: {  	_ =	shalt  }
0x46: {  	_ =	shalt  }
0x47: {  	_ =	shalt  }
0x48: {  	_ =	shalt  }
0x49: {  	_ =	shalt  }
0x4a: {  	_ =	shalt  }
0x4b: {  	_ =	shalt  }
0x4c: {  	_ =	shalt  }
0x4d: {  	_ =	shalt  }
0x4e: {  	_ =	shalt  }
0x4f: {  	_ =	shalt  }
0x50: {  	_ =	shalt  }
0x51: {  	_ =	shalt  }
0x52: {  	_ =	shalt  }
0x53: {  	_ =	shalt  }
0x54: {  	_ =	shalt  }
0x55: {  	_ =	shalt  }
0x56: {  	_ =	shalt  }
0x57: {  	_ =	shalt  }
0x58: {  	_ =	shalt  }
0x59: {  	_ =	shalt  }
0x5a: {  	_ =	shalt  }
0x5b: {  	_ =	shalt  }
0x5c: {  	_ =	shalt  }
0x5d: {  	_ =	shalt  }
0x5e: {  	_ =	shalt  }
0x5f: {  	_ =	shalt  }
0x60: {  	_ =	shalt  }
0x61: {  	_ =	shalt  }
0x62: {  	_ =	shalt  }
0x63: {  	_ =	shalt  }
0x64: {  	_ =	shalt  }
0x65: {  	_ =	shalt  }
0x66: {  	_ =	shalt  }
0x67: {  	_ =	shalt  }
0x68: {  	_ =	shalt  }
0x69: {  	_ =	shalt  }
0x6a: {  	_ =	shalt  }
0x6b: {  	_ =	shalt  }
0x6c: {  	_ =	shalt  }
0x6d: {  	_ =	shalt  }
0x6e: {  	_ =	shalt  }
0x6f: {  	_ =	shalt  }
0x70: {  	_ =	shalt  }
0x71: {  	_ =	shalt  }
0x72: {  	_ =	shalt  }
0x73: {  	_ =	shalt  }
0x74: {  	_ =	shalt  }
0x75: {  	_ =	shalt  }
0x76: {  	_ =	shalt  }
0x77: {  	_ =	shalt  }
0x78: {  	_ =	shalt  }
0x79: {  	_ =	shalt  }
0x7a: {  	_ =	shalt  }
0x7b: {  	_ =	shalt  }
0x7c: {  	_ =	shalt  }
0x7d: {  	_ =	shalt  }
0x7e: {  	_ =	shalt  }
0x7f: {  	_ =	shalt  }
0x80: {  	_ =	shalt  }
0x81: {  	_ =	shalt  }
0x82: {  	_ =	shalt  }
0x83: {  	_ =	shalt  }
0x84: {  	_ =	shalt  }
0x85: {  	_ =	shalt  }
0x86: {  	_ =	shalt  }
0x87: {  	_ =	shalt  }
.Lfunc_end0:
.L_simem_size_0:
called_computation.2_lowered:
.L_overlay_start_0:
0x88: {  	s2 =	sld [smem:$0x3FD9]  }
0x89: {  	s3 =	sld [smem:$0x3FFE];
	_ =	sdelay $0x1  }
0x8a: {  	s1 =	srdreg.scid  }
0x8b: {  	s0 =	sand.u32 $0x1, s1  }
0x8c: {  	s16 =	sshll.u32 s0, $0xA;
	s2 =	sadd.s32 s3, s2  }
0x8d: {  	s2 =	sadd.s32 s2, s16  }
0x8e: {  	[smem:$0x3FB4] =	sst s2  }
0x8f: {  	_ = 	snop  }
0x90: {  	(tm) =	ssettm $0x1  }
0x91: {  	s17 =	sld [smem:$0x3FFB];
	_ =	sdelay $0x3  }
0x92: {  	_ =	strace s17  }
0x93: {  	s2 =	sld [smem:$0x3FFC];
	_ =	sdelay $0x3  }
0x94: {  	_ =	strace s2  }
0x95: {  	s2 =	sld [smem:$0x3FFD];
	_ =	sdelay $0x3  }
0x96: {  	_ =	strace s2  }
0x97: {  	_ =	strace $0x8FFFFFFF  }
0x98: {  	s18 =	sld [smem:$0x3FDB];
	_ =	sdelay $0x1  }
0x99: {  	s19 =	simm.s32 $_scs_section_size  }
0x9a: {  	s4 =	simm.s32 $_size__tile_overlayer_lowered;
	s5 =	simm.s32 $_tile_overlayer_lowered  }
0x9b: {  	s22 =	simm.s32 $0x1BFF;
	s21 =	sshll.u32 s5, $0x1;
	s2 =	sadd.s32 s19, s18  }
0x9c: {  	s6 =	simm.s32 $0x0;
	s20 =	sshll.u32 s4, $0x1;
	s4 =	sadd.s32 s21, s2  }
0x9d: {  	[timem:s6], [sflag:s22] =	dma.local [hbm:s4], s20  }
0x9e: {  	_ =	swait.ge [sflag:s22], s20  }
0x9f: {  	s3 =	ssub.s32 $0x0, s20;
	[sflag:s22] =	ssyncset.done $0x0  }
0xa0: {  	[sflag:s22] =	ssyncadd.s32 s3;
	_ =	sdelay $0x1  }
0xa1: {  	s23 =	simm.s32 $0x1B8B  }
0xa2: {  	_ =	swait.ge [sflag:s23], $0x1  }
0xa3: {  	[sflag:s23] =	ssyncset.done $0x0  }
0xa4: {  	s25 =	simm.s32 $0x1B8E;
	s24 =	sld [smem:$0x3FFE];
	[sflag:s23] =	ssyncadd.s32 $0xFFFFFFFF  }
0xa5: {  	s26 =	simm.s32 $execute0_lowered;
	[smem:$0x3FD2] =	sst s25  }
0xa6: {  	s4 =	sshll.u32 s26, $0x1;
	_ =	strace $0x8000004C;
	[dreg:$0x1] =	wrdreg $0xFFFFFFFF  }
0xa7: {  	s28 =	simm.s32 $_size_execute0_lowered;
	s2 =	sadd.s32 s2, s4;
	[dreg:$0x0] =	wrdreg $0x0  }
0xa8: {  	s4 =	sshll.u32 s28, $0x1;
	[dreg:$0x2] =	wrdreg s2  }
0xa9: {  	[dreg:$0x3] =	wrdreg s4  }
0xaa: {  	[dreg:$0x4] =	wrdreg $0xC0  }
0xab: {  	_ =	task [dreg:s6], $0x5FFFF  }
0xac: {  	[dreg:$0x1] =	wrdreg $0xFFFFFFFF  }
0xad: {  	[dreg:$0x0] =	wrdreg $0x60  }
0xae: {  	[dreg:$0x2] =	wrdreg s24  }
0xaf: {  	[dreg:$0x3] =	wrdreg $0x50000  }
0xb0: {  	[dreg:$0x4] =	wrdreg $0x9  }
0xb1: {  	_ =	task.clear_ibuf [dreg:s6], $0x5FFFF;
	_ =	strace $0x9000004C  }
0xb2: {  	s29 =	simm.s32 $0x9;
	_ =	strace $0x8000004E  }
0xb3: {  	_ =	swait.ge [sflag:s29], $0x1  }
0xb4: {  	[sflag:s29] =	ssyncadd.s32 $0xFFFFFFFF  }
0xb5: {  	_ =	strace $0x9000004E  }
0xb6: {  	_ =	sfence  }
0xb7: {  	s30 =	sld [smem:$0x0];
	_ =	sdelay $0x2  }
0xb8: {  	s31 =	sshll.u32 s1, $0xD;
	s1 =	sshrl.u32 s1, $0x2  }
0xb9: {  	s3 =	sand.u32 $0x4000, s31;
	s1 =	sadd.s32 s1, s30  }
0xba: {  	s0 =	sor.u32 s3, s0;
	s1 =	sshll.u32 s1, $0x11  }
0xbb: {  	s0 =	sor.u32 s1, s0  }
0xbc: {  	s0 =	sadd.s32 $0x8F2B, s0  }
0xbd: {  	[sflag:s0] =	ssyncadd.remote.s32 $0x1  }
0xbe: {  	_ =	sfence.sel $0xFFFF  }
0xbf: {  	[dreg:$0x0] =	wrdreg $0xFFFFFFFF;
	(pc) =	sbr.abs _section_cstart, $3  }
0xc0: {  	[dreg:$0x1] =	wrdreg $0xFFFFFFFF  }
0xc1: {  	_ =	task.clear_ibuf [dreg:s6], $0x2FFFF;
	_ =	strace $0x9FFFFFFF  }
0xc2: {  	(tm) =	ssettm $0x7FFFFFFF  }
0xc3: {  	_ =	shalt  }
tec
execute0_lowered:
.L_overlay_start_1:
0x0: {  	(tag) =	ssettag $0x1  }
0x1: {  	s1 =	srdreg.scid  }
0x2: {  	s0 =	stileid.u32;
	s5 =	rddreg [dreg:$0x0]  }
0x3: {  	s2 =	rddreg [dreg:$0x1];
	s3 =	simm.s32 $0x0;
	s13 =	simm.s32 $0x7D  }
0x4: {  	s14 =	simm.s32 $0x18C00;
	s15 =	simm.s32 $0x2;
	s6 =	sand.u32 $0x1, s1  }
0x5: {  	s29 =	sshll.u32 s0, $0x1;
	s1 =	rddreg [dreg:$0x2];
	s16 =	smul.u32 $0x2780, s0  }
0x6: {  	[smem:$0x7FF] =	sst s3;
	s9 =	smul.u32 $0x4F000, s0;
	s31 =	sshll.u32 s0, $0x6  }
0x7: {  	s4 =	sor.u32 s6, s29;
	_ =	strace $0x8000004D;
	s8 =	smul.u32 $0x27800, s6  }
0x8: {  	s6 =	ssub.s32 $0x2, s6;
	s7 =	smul.u32 $0x500, s4;
	s4 =	sadd.s32 $0x4000, s5  }
0x9: {  	s10 =	sadd.s32 s16, s5;
	s30 =	sshrl.u32 s6, $0x1;
	s9 =	sshrl.u32 s9, $0x2  }
0xa: {  	s8 =	sadd.s32 s8, s5;
	s11 =	ssub.s32 s6, s30;
	s12 =	sadd.s32 s9, s2  }
0xb: {  	s9 =	simm.s32 $0x1;
	s7 =	sadd.s32 s7, s5;
	s17 =	sadd.s32 $0x98C00, s8  }
0xc: {  	s8 =	smax.u32 s11, $0x1;
	s11 =	sor.u32 $0x1C01, s31;
	s12 =	sshrl.u32 s12, $0x3  }
0xd: {  	s5 =	sadd.s32 $0x67400, s7;
	s6 =	sadd.s32 $0x5D400, s7;
	s7 =	sadd.s32 $0x71400, s10  }
0xe: {  	s10 =	simm.s32 $0x2800;
	s16 =	sadd.s32 s16, s17;
	s17 =	simm.s32 $0x0  }
.LBB2_1:
0xf: {  	[tilespmem:s3], [sflag:$0x1] =	stream.linear.gather [hbm4b:s5+s3], $0x2800, $0x38;
	[tilespmem:$0x1CA80] =	vst v63  }
0x10: {  	_ =	swait.ge [sflag:s9], $0x2800  }
0x11: {  	[sflag:s9] =	ssyncset.done $0x0  }
0x12: {  	[sflag:s9] =	ssyncadd.s32 $0xFFFFD800  }
0x13: {  	[tilespmem:s10], [sflag:$0x1] =	stream.linear.gather [hbm4b:s6+s3], $0x2800, $0x38;
	[tilespmem:$0x1CA80] =	vst v63  }
0x14: {  	_ =	swait.ge [sflag:s9], $0x2800  }
0x15: {  	[sflag:s9] =	ssyncset.done $0x0  }
0x16: {  	[sflag:s9] =	ssyncadd.s32 $0xFFFFD800  }
0x17: {  	[spmem:s12], [sflag:s11] =	dma.local [hbm:s7], $0x2780  }
0x18: {  	_ =	swait.ge [sflag:s9], $0x2780  }
0x19: {  	[sflag:s9] =	ssyncset.done $0x0  }
0x1a: {  	[sflag:s9] =	ssyncadd.s32 $0xFFFFD880  }
0x1b: {  	s18 =	simm.s32 $0x0;
	[bflag:$0x0] =	sbarrier.arrive $0xFFFF  }
0x1c: {  	[tilespmem:s14], [sflag:$0x1] =	stream.indirect.gather [hbm4b:s4+s13], $0x80, s18, s13, $0xb8;
	[tilespmem:$0x1CA80] =	vst v63  }
0x1d: {  	_ =	swait.ge [sflag:s9], $0x3E80  }
0x1e: {  	[sflag:s9] =	ssyncset.done $0x0  }
0x1f: {  	s30 =	simm.s32 $0x2800;
	[sflag:s9] =	ssyncadd.s32 $0xFFFFC180  }
0x20: {  	[spmem:s2] =	stream.indirect.scatter.add.f32 [tilespmem:s14], [sflag:$0x2], $0x80, s30, s13, $0xb8;
	[tilespmem:$0x1CA80] =	vst v63  }
0x21: {  	_ =	swait.ge [sflag:s15], $0x3E80  }
0x22: {  	[sflag:s15] =	ssyncset.done $0x0  }
0x23: {  	s31 =	simm.s32 $0x80;
	[sflag:s15] =	ssyncadd.s32 $0xFFFFC180  }
0x24: {  	[tilespmem:s14], [sflag:$0x1] =	stream.indirect.gather [hbm4b:s4+s13], $0x80, s31, s13, $0xb8;
	[tilespmem:$0x1CA80] =	vst v63  }
0x25: {  	_ =	swait.ge [sflag:s9], $0x3E80  }
0x26: {  	[sflag:s9] =	ssyncset.done $0x0  }
0x27: {  	s18 =	simm.s32 $0x2880;
	[sflag:s9] =	ssyncadd.s32 $0xFFFFC180  }
0x28: {  	[spmem:s2] =	stream.indirect.scatter.add.f32 [tilespmem:s14], [sflag:$0x2], $0x80, s18, s13, $0xb8;
	[tilespmem:$0x1CA80] =	vst v63  }
0x29: {  	_ =	swait.ge [sflag:s15], $0x3E80  }
0x2a: {  	s19 =	simm.s32 $0x0;
	s20 =	simm.s32 $0x180;
	[sflag:s15] =	ssyncset.done $0x0  }
.LBB2_2:
0x2b: {  	s21 =	sadd.s32 $0xFFFFFF80, s20;
	[sflag:s15] =	ssyncadd.s32 $0xFFFFC180  }
0x2c: {  	[tilespmem:s14], [sflag:$0x1] =	stream.indirect.gather [hbm4b:s4+s13], $0x80, s21, s13, $0xb8;
	[tilespmem:$0x1CA80] =	vst v63  }
0x2d: {  	_ =	swait.ge [sflag:s9], $0x3E80  }
0x2e: {  	s18 =	sadd.s32 $0x100, s18;
	[sflag:s9] =	ssyncset.done $0x0  }
0x2f: {  	s21 =	sadd.s32 $0xFFFFFF80, s18;
	[sflag:s9] =	ssyncadd.s32 $0xFFFFC180  }
0x30: {  	[spmem:s2] =	stream.indirect.scatter.add.f32 [tilespmem:s14], [sflag:$0x2], $0x80, s21, s13, $0xb8;
	[tilespmem:$0x1CA80] =	vst v63  }
0x31: {  	_ =	swait.ge [sflag:s15], $0x3E80  }
0x32: {  	s19 =	sadd.s32 $0x2, s19;
	[sflag:s15] =	ssyncset.done $0x0  }
0x33: {  	p0 =	slt.u32 s19, $0x4E;
	[sflag:s15] =	ssyncadd.s32 $0xFFFFC180  }
0x34: {  	[tilespmem:s14], [sflag:$0x1] =	stream.indirect.gather [hbm4b:s4+s13], $0x80, s20, s13, $0xb8;
	[tilespmem:$0x1CA80] =	vst v63  }
0x35: {  	_ =	swait.ge [sflag:s9], $0x3E80  }
.Ltmp0:
0x36: {  	[sflag:s9] =	ssyncset.done $0x0;
	(pc) =	sbr.rel @p0 .LBB2_2-.Ltmp0, $4  }
0x37: {  	[sflag:s9] =	ssyncadd.s32 $0xFFFFC180  }
0x38: {  	[spmem:s2] =	stream.indirect.scatter.add.f32 [tilespmem:s14], [sflag:$0x2], $0x80, s18, s13, $0xb8;
	[tilespmem:$0x1CA80] =	vst v63  }
0x39: {  	_ =	swait.ge [sflag:s15], $0x3E80  }
0x3a: {  	s20 =	sadd.s32 $0x100, s20;
	[sflag:s15] =	ssyncset.done $0x0  }
0x3b: {  	s17 =	sadd.s32 $0x1, s17  }
0x3c: {  	[sflag:s15] =	ssyncadd.s32 $0xFFFFC180;
	p0 =	sne.s32 s17, s8  }
.Ltmp1:
0x3d: {  	[bflag:$0x0] =	sbarrier.arrive $0xFFFF;
	(pc) =	sbr.rel @p0 .LBB2_1-.Ltmp1, $4  }
0x3e: {  	[hbm:s16], [sflag:s11] =	dma.local [spmem:s12], $0x2780  }
0x3f: {  	_ =	swait.ge [sflag:s9], $0x2780  }
0x40: {  	[sflag:s9] =	ssyncset.done $0x0  }
0x41: {  	[sflag:s9] =	ssyncadd.s32 $0xFFFFD880  }
0x42: {  	_ =	sfence.sel $0x180000  }
0x43: {  	[bflag:$0x0] =	sbarrier.arrive $0xFFFF  }
0x44: {  	p0 =	sne.s32 s0, $0x0;
	_ =	strace $0x9000004D  }
0x45: {  	s0 =	sadd.s32 @!p0 $0x100000, s1;
	[bflag:$0x2] =	sbarrier.arrive $0xFFFF  }
0x46: {  	[sflag:s0] =	ssyncadd.tile.s32 @!p0 $0x1;
	_ =	shalt  }
.Lfunc_end2:
_tile_overlayer_lowered:
.L_overlay_start_2:
0x47: {  	(tag) =	ssettag $0x2  }
0x48: {  	s0 =	rddreg [dreg:$0x0];
	s2 =	stileid.u32  }
0x49: {  	s1 =	rddreg [dreg:$0x1];
	p0 =	sne.s32 s2, $0x0  }
0x4a: {  	s3 =	rddreg [dreg:$0x2];
	[bflag:$0x3] =	sbarrier.arrive $0xFFFF;
	s2 =	simm.s32 @!p0 $0x1C01  }
0x4b: {  	[timem:s3], [sflag:s2] =	dma.local @!p0 [hbm:s0], s1  }
0x4c: {  	s0 =	simm.s32 @!p0 $0x1  }
0x4d: {  	_ =	swait.ge @!p0 [sflag:s0], s1  }
0x4e: {  	s1 =	ssub.s32 @!p0 $0x0, s1;
	[sflag:s0] =	ssyncset.done @!p0 $0x0  }
0x4f: {  	[sflag:s0] =	ssyncadd.s32 @!p0 s1  }
0x50: {  	[bflag:$0x3] =	sbarrier.arrive $0xFFFF  }
0x51: {  	_ =	shalt  }

// kernel: kernel.18.cloned.1.call-start
scs
__scs_entry_jumppad:
0x0: {  	(pc) =	sbr.rel $0x88, $3  }
0x1: {  	(tag) =	ssettag $0x0;
	lr =	simm.s32 $0x1  }
0x2: {  	[smem:$0x3F8D] =	sst lr;
	_ =	strace $0xD0000000  }
0x3: {  	_ = 	snop  }
0x4: {  	_ = 	snop  }
0x5: {  	_ = 	snop  }
0x6: {  	_ = 	snop  }
0x7: {  	_ = 	snop  }
__scs_overlays_trampoline_lowered:
0x8: {  	[smem:$0x3F9C] =	sst s0  }
0x9: {  	[smem:$0x3F9D] =	sst s1  }
0xa: {  	[smem:$0x3F9E] =	sst s2  }
0xb: {  	[smem:$0x3F9F] =	sst s3  }
0xc: {  	[smem:$0x3FA0] =	sst s4  }
0xd: {  	[smem:$0x3FA1] =	sst s5  }
0xe: {  	[smem:$0x3FA2] =	sst s6  }
0xf: {  	[smem:$0x3FA3] =	sst s7  }
0x10: {  	[smem:$0x3FA4] =	sst s8  }
0x11: {  	[smem:$0x3FA5] =	sst s9;
	s0 =	simm.s32 @!p0 $0x0  }
0x12: {  	s1 =	sld [smem:$0x3F8B];
	s0 =	simm.s32 @p0 $0x1  }
0x13: {  	[smem:$0x3FA6] =	sst s0;
	s0 =	simm.s32 @!p1 $0x0  }
0x14: {  	s2 =	sld [smem:$0x3F8A];
	s0 =	simm.s32 @p1 $0x1  }
0x15: {  	[smem:$0x3FA7] =	sst s0;
	s0 =	simm.s32 @!p2 $0x0  }
0x16: {  	s3 =	sld [smem:$0x3FDB];
	s0 =	simm.s32 @p2 $0x1  }
0x17: {  	s4 =	simm.s32 $0x1BF5;
	[smem:$0x3FA9] =	sst s0  }
0x18: {  	s0 =	sld [smem:$0x3F8C];
	_ =	swait.ge [sflag:s4], $0x0  }
0x19: {  	s7 =	sld [smem:$0x3F8D]  }
0x1a: {  	s8 =	sadd.s32 $0xFFFFE003, lr  }
0x1b: {  	s9 =	sadd.s32 $0xFFFFFEF7, lr;
	s5 =	simm.s32 $0xFFFFFFFF;
	p2 =	slt.u32 s8, $0xFFFFF086  }
0x1c: {  	p1 =	slt.u32 s9, $0xF7A;
	s5 =	simm.s32 @!p2 $0x0  }
0x1d: {  	s5 =	simm.s32 @p1 $0x1;
	p0 =	seq.s32 s7, s2  }
0x1e: {  	s7 =	smul.u32 @!p0 $0xF7A, s2;
	p2 =	seq.s32 @!p0 s5, $0x0  }
0x1f: {  	s9 =	smul.u32 $0xF7A, s1;
	s8 =	simm.s32 @!p0 $0x1BF5;
	p2 =	por !p2, p0  }
0x20: {  	[sflag:s8] =	ssyncset.s32 @!p0 $0xFFFFF086;
	s6 =	sadd.s32 @!p0 s3, s7;
	s7 =	simm.s32 @!p0 $0x108  }
0x21: {  	s3 =	sadd.s32 s3, s9;
	s6 =	sadd.s32 @!p0 $0x88, s6;
	s7 =	simm.s32 @p2 $0x1082  }
0x22: {  	[simem:s7], [sflag:s8] =	dma.local @!p0 [hbm:s6], $0xF7A  }
0x23: {  	s9 =	sor.u32 $0xD0000000, s2;
	s6 =	simm.s32 $0x108;
	_ =	swait.ge @!p0 [sflag:s8], $0x0  }
0x24: {  	s3 =	sadd.s32 $0x88, s3;
	s6 =	simm.s32 @!p1 $0x1082;
	[sflag:s4] =	ssyncset.s32 $0xFFFFF086  }
0x25: {  	[simem:s6], [sflag:s4] =	dma.local [hbm:s3], $0xF7A  }
0x26: {  	[smem:$0x3F8D] =	sst s1;
	(tag) =	ssettag s2;
	_ =	strace s9  }
0x27: {  	s1 =	sld [smem:$0x3F9D]  }
0x28: {  	s2 =	sld [smem:$0x3F9E]  }
0x29: {  	s4 =	sld [smem:$0x3FA0]  }
0x2a: {  	p0 =	seq.s32 s5, $0x0;
	s5 =	sld [smem:$0x3FA1]  }
0x2b: {  	s6 =	sld [smem:$0x3FA2]  }
0x2c: {  	s7 =	sld [smem:$0x3FA3]  }
0x2d: {  	s3 =	simm.s32 $0x108;
	s8 =	sld [smem:$0x3FA4]  }
0x2e: {  	s3 =	simm.s32 @!p0 $0x1082;
	s9 =	sld [smem:$0x3FA5]  }
0x2f: {  	lr =	sadd.s32 s0, s3;
	s0 =	sld [smem:$0x3F9C]  }
0x30: {  	s3 =	sld [smem:$0x3F9F]  }
0x31: {  	[smem:$0x3FA8] =	sst s10  }
0x32: {  	s10 =	sld [smem:$0x3FA6];
	_ =	sdelay $0x3  }
0x33: {  	p0 =	seq.s32 s10, $0x1;
	s10 =	sld [smem:$0x3FA8];
	_ =	sdelay $0x3  }
0x34: {  	[smem:$0x3FA8] =	sst s10  }
0x35: {  	s10 =	sld [smem:$0x3FA7];
	_ =	sdelay $0x3  }
0x36: {  	p1 =	seq.s32 s10, $0x1;
	s10 =	sld [smem:$0x3FA8];
	_ =	sdelay $0x3  }
0x37: {  	[smem:$0x3FA8] =	sst s10  }
0x38: {  	s10 =	sld [smem:$0x3FA9]  }
0x39: {  	_ = 	snop;
	(pc) =	sbr.ind lr, $3  }
0x3a: {  	_ = 	snop  }
0x3b: {  	_ = 	snop  }
0x3c: {  	p2 =	seq.s32 s10, $0x1;
	s10 =	sld [smem:$0x3FA8]  }
0x3d: {  	_ =	shalt  }
0x3e: {  	_ =	shalt  }
0x3f: {  	_ =	shalt  }
0x40: {  	_ =	shalt  }
0x41: {  	_ =	shalt  }
0x42: {  	_ =	shalt  }
0x43: {  	_ =	shalt  }
0x44: {  	_ =	shalt  }
0x45: {  	_ =	shalt  }
0x46: {  	_ =	shalt  }
0x47: {  	_ =	shalt  }
0x48: {  	_ =	shalt  }
0x49: {  	_ =	shalt  }
0x4a: {  	_ =	shalt  }
0x4b: {  	_ =	shalt  }
0x4c: {  	_ =	shalt  }
0x4d: {  	_ =	shalt  }
0x4e: {  	_ =	shalt  }
0x4f: {  	_ =	shalt  }
0x50: {  	_ =	shalt  }
0x51: {  	_ =	shalt  }
0x52: {  	_ =	shalt  }
0x53: {  	_ =	shalt  }
0x54: {  	_ =	shalt  }
0x55: {  	_ =	shalt  }
0x56: {  	_ =	shalt  }
0x57: {  	_ =	shalt  }
0x58: {  	_ =	shalt  }
0x59: {  	_ =	shalt  }
0x5a: {  	_ =	shalt  }
0x5b: {  	_ =	shalt  }
0x5c: {  	_ =	shalt  }
0x5d: {  	_ =	shalt  }
0x5e: {  	_ =	shalt  }
0x5f: {  	_ =	shalt  }
0x60: {  	_ =	shalt  }
0x61: {  	_ =	shalt  }
0x62: {  	_ =	shalt  }
0x63: {  	_ =	shalt  }
0x64: {  	_ =	shalt  }
0x65: {  	_ =	shalt  }
0x66: {  	_ =	shalt  }
0x67: {  	_ =	shalt  }
0x68: {  	_ =	shalt  }
0x69: {  	_ =	shalt  }
0x6a: {  	_ =	shalt  }
0x6b: {  	_ =	shalt  }
0x6c: {  	_ =	shalt  }
0x6d: {  	_ =	shalt  }
0x6e: {  	_ =	shalt  }
0x6f: {  	_ =	shalt  }
0x70: {  	_ =	shalt  }
0x71: {  	_ =	shalt  }
0x72: {  	_ =	shalt  }
0x73: {  	_ =	shalt  }
0x74: {  	_ =	shalt  }
0x75: {  	_ =	shalt  }
0x76: {  	_ =	shalt  }
0x77: {  	_ =	shalt  }
0x78: {  	_ =	shalt  }
0x79: {  	_ =	shalt  }
0x7a: {  	_ =	shalt  }
0x7b: {  	_ =	shalt  }
0x7c: {  	_ =	shalt  }
0x7d: {  	_ =	shalt  }
0x7e: {  	_ =	shalt  }
0x7f: {  	_ =	shalt  }
0x80: {  	_ =	shalt  }
0x81: {  	_ =	shalt  }
0x82: {  	_ =	shalt  }
0x83: {  	_ =	shalt  }
0x84: {  	_ =	shalt  }
0x85: {  	_ =	shalt  }
0x86: {  	_ =	shalt  }
0x87: {  	_ =	shalt  }
.Lfunc_end0:
.L_simem_size_0:
called_computation.3_lowered:
.L_overlay_start_0:
0x88: {  	s2 =	sld [smem:$0x3FD9]  }
0x89: {  	s3 =	sld [smem:$0x3FFE];
	_ =	sdelay $0x1  }
0x8a: {  	s1 =	srdreg.scid  }
0x8b: {  	s0 =	sand.u32 $0x1, s1  }
0x8c: {  	s16 =	sshll.u32 s0, $0xA;
	s2 =	sadd.s32 s3, s2  }
0x8d: {  	s2 =	sadd.s32 s2, s16  }
0x8e: {  	[smem:$0x3FB4] =	sst s2  }
0x8f: {  	_ = 	snop  }
0x90: {  	(tm) =	ssettm $0x1  }
0x91: {  	s17 =	sld [smem:$0x3FFB];
	_ =	sdelay $0x3  }
0x92: {  	_ =	strace s17  }
0x93: {  	s2 =	sld [smem:$0x3FFC];
	_ =	sdelay $0x3  }
0x94: {  	_ =	strace s2  }
0x95: {  	s2 =	sld [smem:$0x3FFD];
	_ =	sdelay $0x3  }
0x96: {  	_ =	strace s2  }
0x97: {  	_ =	strace $0x8FFFFFFF  }
0x98: {  	s18 =	sld [smem:$0x3FDB];
	_ =	sdelay $0x1  }
0x99: {  	s19 =	simm.s32 $_scs_section_size  }
0x9a: {  	s4 =	simm.s32 $_size__tile_overlayer_lowered;
	s5 =	simm.s32 $_tile_overlayer_lowered  }
0x9b: {  	s22 =	simm.s32 $0x1BFF;
	s21 =	sshll.u32 s5, $0x1;
	s2 =	sadd.s32 s19, s18  }
0x9c: {  	s6 =	simm.s32 $0x0;
	s20 =	sshll.u32 s4, $0x1;
	s4 =	sadd.s32 s21, s2  }
0x9d: {  	[timem:s6], [sflag:s22] =	dma.local [hbm:s4], s20  }
0x9e: {  	_ =	swait.ge [sflag:s22], s20  }
0x9f: {  	s3 =	ssub.s32 $0x0, s20;
	[sflag:s22] =	ssyncset.done $0x0  }
0xa0: {  	[sflag:s22] =	ssyncadd.s32 s3;
	_ =	sdelay $0x1  }
0xa1: {  	s23 =	simm.s32 $0x1B8B  }
0xa2: {  	_ =	swait.ge [sflag:s23], $0x1  }
0xa3: {  	[sflag:s23] =	ssyncset.done $0x0  }
0xa4: {  	s25 =	simm.s32 $0x1B8E;
	s24 =	sld [smem:$0x3FFE];
	[sflag:s23] =	ssyncadd.s32 $0xFFFFFFFF  }
0xa5: {  	s26 =	simm.s32 $execute0_lowered;
	[smem:$0x3FD2] =	sst s25  }
0xa6: {  	s4 =	sshll.u32 s26, $0x1;
	_ =	strace $0x8000004F;
	[dreg:$0x1] =	wrdreg $0xFFFFFFFF  }
0xa7: {  	s28 =	simm.s32 $_size_execute0_lowered;
	s2 =	sadd.s32 s2, s4;
	[dreg:$0x0] =	wrdreg $0x0  }
0xa8: {  	s4 =	sshll.u32 s28, $0x1;
	[dreg:$0x2] =	wrdreg s2  }
0xa9: {  	[dreg:$0x3] =	wrdreg s4  }
0xaa: {  	[dreg:$0x4] =	wrdreg $0xC0  }
0xab: {  	_ =	task [dreg:s6], $0x5FFFF  }
0xac: {  	[dreg:$0x1] =	wrdreg $0xFFFFFFFF  }
0xad: {  	[dreg:$0x0] =	wrdreg $0x60  }
0xae: {  	[dreg:$0x2] =	wrdreg s24  }
0xaf: {  	[dreg:$0x3] =	wrdreg $0x9  }
0xb0: {  	_ =	task.clear_ibuf [dreg:s6], $0x4FFFF;
	_ =	strace $0x9000004F  }
0xb1: {  	s29 =	simm.s32 $0x9;
	_ =	strace $0x80000051  }
0xb2: {  	_ =	swait.ge [sflag:s29], $0x1  }
0xb3: {  	[sflag:s29] =	ssyncadd.s32 $0xFFFFFFFF  }
0xb4: {  	_ =	strace $0x90000051  }
0xb5: {  	_ =	sfence  }
0xb6: {  	s30 =	sld [smem:$0x0];
	_ =	sdelay $0x2  }
0xb7: {  	s31 =	sshll.u32 s1, $0xD;
	s1 =	sshrl.u32 s1, $0x2  }
0xb8: {  	s3 =	sand.u32 $0x4000, s31;
	s1 =	sadd.s32 s1, s30  }
0xb9: {  	s0 =	sor.u32 s3, s0;
	s1 =	sshll.u32 s1, $0x11  }
0xba: {  	s0 =	sor.u32 s1, s0  }
0xbb: {  	s0 =	sadd.s32 $0x8F2B, s0  }
0xbc: {  	[sflag:s0] =	ssyncadd.remote.s32 $0x1  }
0xbd: {  	_ =	sfence.sel $0xFFFF  }
0xbe: {  	[dreg:$0x0] =	wrdreg $0xFFFFFFFF;
	(pc) =	sbr.abs _section_cstart, $3  }
0xbf: {  	[dreg:$0x1] =	wrdreg $0xFFFFFFFF  }
0xc0: {  	_ =	task.clear_ibuf [dreg:s6], $0x2FFFF;
	_ =	strace $0x9FFFFFFF  }
0xc1: {  	(tm) =	ssettm $0x7FFFFFFF  }
tec
execute0_lowered:
.L_overlay_start_1:
0x0: {  	(tag) =	ssettag $0x1  }
0x1: {  	s1 =	srdreg.scid  }
0x2: {  	s0 =	stileid.u32;
	s10 =	sand.u32 $0x1, s1  }
0x3: {  	s30 =	sshll.u32 s0, $0x9;
	s2 =	sshll.u32 s10, $0x8  }
0x4: {  	s9 =	rddreg [dreg:$0x0];
	s11 =	sor.u32 s2, s30  }
0x5: {  	s1 =	rddreg [dreg:$0x1];
	s2 =	simm.s32 $0x0;
	s3 =	sshrl.u32 s11, $0x3  }
0x6: {  	[smem:$0x7FF] =	sst s2;
	s3 =	sadd.s32 s3, s9  }
0x7: {  	_ =	strace $0x80000050;
	s4 =	sadd.s32 $0x2B200, s3;
	s3 =	simm.s32 $0x2  }
0x8: {  	[tilespmem:s2], [sflag:$0x2] =	stream.linear.gather [hbm4b:s4+s2], $0x100, $0x38;
	[tilespmem:$0x4100] =	vst v63  }
0x9: {  	_ =	swait.ge [sflag:s3], $0x100  }
0xa: {  	s6 =	simm.s32 $0x80;
	s7 =	simm.s32 $0x100;
	[sflag:s3] =	ssyncset.done $0x0  }
0xb: {  	s8 =	simm.s32 $0x1;
	s5 =	sadd.s32 $0x4000, s9;
	[sflag:s3] =	ssyncadd.s32 $0xFFFFFF00  }
0xc: {  	[tilespmem:s7], [sflag:$0x1] =	stream.indirect.gather [hbm4b:s5+s6], $0x80, s2, s6, $0xb8;
	[tilespmem:$0x4100] =	vst v63  }
0xd: {  	s11 =	sshll.u32 s11, $0x4;
	_ =	swait.ge [sflag:s8], $0x4000  }
0xe: {  	s11 =	sadd.s32 s11, s9;
	[sflag:s8] =	ssyncset.done $0x0  }
0xf: {  	s10 =	ssub.s32 $0x2, s10;
	s9 =	sadd.s32 $0x2B600, s11;
	[sflag:s8] =	ssyncadd.s32 $0xFFFFC000  }
0x10: {  	[hbm4b:s9+s2] =	stream.linear.scatter [tilespmem:s7], [sflag:$0x2], $0x4000, $0x38;
	[tilespmem:$0x4100] =	vst v63  }
0x11: {  	s12 =	sshrl.u32 s10, $0x1;
	_ =	swait.ge [sflag:s3], $0x4000  }
0x12: {  	s12 =	ssub.s32 s10, s12;
	[sflag:s3] =	ssyncset.done $0x0  }
0x13: {  	s31 =	smax.u32 s12, $0x1;
	[sflag:s3] =	ssyncadd.s32 $0xFFFFC000  }
0x14: {  	[tilespmem:s7], [sflag:$0x1] =	stream.indirect.gather [hbm4b:s5+s6], $0x80, s6, s6, $0xb8;
	[tilespmem:$0x4100] =	vst v63  }
0x15: {  	p0 =	sne.s32 s31, $0x1;
	_ =	swait.ge [sflag:s8], $0x4000  }
.Ltmp0:
0x16: {  	[sflag:s8] =	ssyncset.done $0x0;
	(pc) =	sbr.rel @!p0 .LBB2_2-.Ltmp0, $4  }
0x17: {  	s10 =	sadd.s32 $0x2BE00, s11;
	[sflag:s8] =	ssyncadd.s32 $0xFFFFC000  }
0x18: {  	[hbm4b:s10+s2] =	stream.linear.scatter [tilespmem:s7], [sflag:$0x2], $0x4000, $0x38;
	[tilespmem:$0x4100] =	vst v63  }
0x19: {  	_ =	swait.ge [sflag:s3], $0x4000  }
0x1a: {  	s11 =	sadd.s32 $0xFFFFFFFF, s31;
	[sflag:s3] =	ssyncset.done $0x0  }
.LBB2_1:
0x1b: {  	p0 =	sne.s32 s11, $0x1;
	s11 =	sadd.s32 $0xFFFFFFFF, s11;
	[sflag:s3] =	ssyncadd.s32 $0xFFFFC000  }
0x1c: {  	[tilespmem:s2], [sflag:$0x2] =	stream.linear.gather [hbm4b:s4+s2], $0x100, $0x38;
	[tilespmem:$0x4100] =	vst v63  }
0x1d: {  	_ =	swait.ge [sflag:s3], $0x100  }
0x1e: {  	[sflag:s3] =	ssyncset.done $0x0  }
0x1f: {  	[sflag:s3] =	ssyncadd.s32 $0xFFFFFF00  }
0x20: {  	[tilespmem:s7], [sflag:$0x1] =	stream.indirect.gather [hbm4b:s5+s6], $0x80, s2, s6, $0xb8;
	[tilespmem:$0x4100] =	vst v63  }
0x21: {  	_ =	swait.ge [sflag:s8], $0x4000  }
0x22: {  	[sflag:s8] =	ssyncset.done $0x0  }
0x23: {  	[sflag:s8] =	ssyncadd.s32 $0xFFFFC000  }
0x24: {  	[hbm4b:s9+s2] =	stream.linear.scatter [tilespmem:s7], [sflag:$0x2], $0x4000, $0x38;
	[tilespmem:$0x4100] =	vst v63  }
0x25: {  	_ =	swait.ge [sflag:s3], $0x4000  }
0x26: {  	[sflag:s3] =	ssyncset.done $0x0  }
0x27: {  	[sflag:s3] =	ssyncadd.s32 $0xFFFFC000  }
0x28: {  	[tilespmem:s7], [sflag:$0x1] =	stream.indirect.gather [hbm4b:s5+s6], $0x80, s6, s6, $0xb8;
	[tilespmem:$0x4100] =	vst v63  }
0x29: {  	_ =	swait.ge [sflag:s8], $0x4000  }
.Ltmp1:
0x2a: {  	[sflag:s8] =	ssyncset.done $0x0;
	(pc) =	sbr.rel @p0 .LBB2_1-.Ltmp1, $4  }
0x2b: {  	[sflag:s8] =	ssyncadd.s32 $0xFFFFC000  }
0x2c: {  	[hbm4b:s10+s2] =	stream.linear.scatter [tilespmem:s7], [sflag:$0x2], $0x4000, $0x38;
	[tilespmem:$0x4100] =	vst v63  }
0x2d: {  	_ =	swait.ge [sflag:s3], $0x4000  }
0x2e: {  	[sflag:s3] =	ssyncset.done $0x0  }
.LBB2_2:
0x2f: {  	[sflag:s3] =	ssyncadd.s32 $0xFFFFC000  }
0x30: {  	_ =	sfence.sel $0x180000  }
0x31: {  	[bflag:$0x0] =	sbarrier.arrive $0xFFFF  }
0x32: {  	p0 =	sne.s32 s0, $0x0;
	_ =	strace $0x90000050  }
0x33: {  	s0 =	sadd.s32 @!p0 $0x100000, s1;
	[bflag:$0x2] =	sbarrier.arrive $0xFFFF  }
0x34: {  	[sflag:s0] =	ssyncadd.tile.s32 @!p0 $0x1;
	_ =	shalt  }
.Lfunc_end2:
_tile_overlayer_lowered:
.L_overlay_start_2:
0x35: {  	(tag) =	ssettag $0x2  }
0x36: {  	s0 =	rddreg [dreg:$0x0];
	s2 =	stileid.u32  }
0x37: {  	s1 =	rddreg [dreg:$0x1];
	p0 =	sne.s32 s2, $0x0  }
0x38: {  	s3 =	rddreg [dreg:$0x2];
	[bflag:$0x3] =	sbarrier.arrive $0xFFFF;
	s2 =	simm.s32 @!p0 $0x1C02  }
0x39: {  	[timem:s3], [sflag:s2] =	dma.local @!p0 [hbm:s0], s1  }
0x3a: {  	s0 =	simm.s32 @!p0 $0x2  }
0x3b: {  	_ =	swait.ge @!p0 [sflag:s0], s1  }
0x3c: {  	s1 =	ssub.s32 @!p0 $0x0, s1;
	[sflag:s0] =	ssyncset.done @!p0 $0x0  }
0x3d: {  	[sflag:s0] =	ssyncadd.s32 @!p0 s1  }
0x3e: {  	[bflag:$0x3] =	sbarrier.arrive $0xFFFF  }
0x3f: {  	_ =	shalt  }

// kernel: kernel.9.cloned.1.call-start
scs
__scs_entry_jumppad:
0x0: {  	(pc) =	sbr.rel $0x88, $3  }
0x1: {  	(tag) =	ssettag $0x0;
	lr =	simm.s32 $0x1  }
0x2: {  	[smem:$0x3F8D] =	sst lr;
	_ =	strace $0xD0000000  }
0x3: {  	_ = 	snop  }
0x4: {  	_ = 	snop  }
0x5: {  	_ = 	snop  }
0x6: {  	_ = 	snop  }
0x7: {  	_ = 	snop  }
__scs_overlays_trampoline_lowered:
0x8: {  	[smem:$0x3F9C] =	sst s0  }
0x9: {  	[smem:$0x3F9D] =	sst s1  }
0xa: {  	[smem:$0x3F9E] =	sst s2  }
0xb: {  	[smem:$0x3F9F] =	sst s3  }
0xc: {  	[smem:$0x3FA0] =	sst s4  }
0xd: {  	[smem:$0x3FA1] =	sst s5  }
0xe: {  	[smem:$0x3FA2] =	sst s6  }
0xf: {  	[smem:$0x3FA3] =	sst s7  }
0x10: {  	[smem:$0x3FA4] =	sst s8  }
0x11: {  	[smem:$0x3FA5] =	sst s9;
	s0 =	simm.s32 @!p0 $0x0  }
0x12: {  	s1 =	sld [smem:$0x3F8B];
	s0 =	simm.s32 @p0 $0x1  }
0x13: {  	[smem:$0x3FA6] =	sst s0;
	s0 =	simm.s32 @!p1 $0x0  }
0x14: {  	s2 =	sld [smem:$0x3F8A];
	s0 =	simm.s32 @p1 $0x1  }
0x15: {  	[smem:$0x3FA7] =	sst s0;
	s0 =	simm.s32 @!p2 $0x0  }
0x16: {  	s3 =	sld [smem:$0x3FDB];
	s0 =	simm.s32 @p2 $0x1  }
0x17: {  	s4 =	simm.s32 $0x1BF5;
	[smem:$0x3FA9] =	sst s0  }
0x18: {  	s0 =	sld [smem:$0x3F8C];
	_ =	swait.ge [sflag:s4], $0x0  }
0x19: {  	s7 =	sld [smem:$0x3F8D]  }
0x1a: {  	s8 =	sadd.s32 $0xFFFFE003, lr  }
0x1b: {  	s9 =	sadd.s32 $0xFFFFFEF7, lr;
	s5 =	simm.s32 $0xFFFFFFFF;
	p2 =	slt.u32 s8, $0xFFFFF086  }
0x1c: {  	p1 =	slt.u32 s9, $0xF7A;
	s5 =	simm.s32 @!p2 $0x0  }
0x1d: {  	s5 =	simm.s32 @p1 $0x1;
	p0 =	seq.s32 s7, s2  }
0x1e: {  	s7 =	smul.u32 @!p0 $0xF7A, s2;
	p2 =	seq.s32 @!p0 s5, $0x0  }
0x1f: {  	s9 =	smul.u32 $0xF7A, s1;
	s8 =	simm.s32 @!p0 $0x1BF5;
	p2 =	por !p2, p0  }
0x20: {  	[sflag:s8] =	ssyncset.s32 @!p0 $0xFFFFF086;
	s6 =	sadd.s32 @!p0 s3, s7;
	s7 =	simm.s32 @!p0 $0x108  }
0x21: {  	s3 =	sadd.s32 s3, s9;
	s6 =	sadd.s32 @!p0 $0x88, s6;
	s7 =	simm.s32 @p2 $0x1082  }
0x22: {  	[simem:s7], [sflag:s8] =	dma.local @!p0 [hbm:s6], $0xF7A  }
0x23: {  	s9 =	sor.u32 $0xD0000000, s2;
	s6 =	simm.s32 $0x108;
	_ =	swait.ge @!p0 [sflag:s8], $0x0  }
0x24: {  	s3 =	sadd.s32 $0x88, s3;
	s6 =	simm.s32 @!p1 $0x1082;
	[sflag:s4] =	ssyncset.s32 $0xFFFFF086  }
0x25: {  	[simem:s6], [sflag:s4] =	dma.local [hbm:s3], $0xF7A  }
0x26: {  	[smem:$0x3F8D] =	sst s1;
	(tag) =	ssettag s2;
	_ =	strace s9  }
0x27: {  	s1 =	sld [smem:$0x3F9D]  }
0x28: {  	s2 =	sld [smem:$0x3F9E]  }
0x29: {  	s4 =	sld [smem:$0x3FA0]  }
0x2a: {  	p0 =	seq.s32 s5, $0x0;
	s5 =	sld [smem:$0x3FA1]  }
0x2b: {  	s6 =	sld [smem:$0x3FA2]  }
0x2c: {  	s7 =	sld [smem:$0x3FA3]  }
0x2d: {  	s3 =	simm.s32 $0x108;
	s8 =	sld [smem:$0x3FA4]  }
0x2e: {  	s3 =	simm.s32 @!p0 $0x1082;
	s9 =	sld [smem:$0x3FA5]  }
0x2f: {  	lr =	sadd.s32 s0, s3;
	s0 =	sld [smem:$0x3F9C]  }
0x30: {  	s3 =	sld [smem:$0x3F9F]  }
0x31: {  	[smem:$0x3FA8] =	sst s10  }
0x32: {  	s10 =	sld [smem:$0x3FA6];
	_ =	sdelay $0x3  }
0x33: {  	p0 =	seq.s32 s10, $0x1;
	s10 =	sld [smem:$0x3FA8];
	_ =	sdelay $0x3  }
0x34: {  	[smem:$0x3FA8] =	sst s10  }
0x35: {  	s10 =	sld [smem:$0x3FA7];
	_ =	sdelay $0x3  }
0x36: {  	p1 =	seq.s32 s10, $0x1;
	s10 =	sld [smem:$0x3FA8];
	_ =	sdelay $0x3  }
0x37: {  	[smem:$0x3FA8] =	sst s10  }
0x38: {  	s10 =	sld [smem:$0x3FA9]  }
0x39: {  	_ = 	snop;
	(pc) =	sbr.ind lr, $3  }
0x3a: {  	_ = 	snop  }
0x3b: {  	_ = 	snop  }
0x3c: {  	p2 =	seq.s32 s10, $0x1;
	s10 =	sld [smem:$0x3FA8]  }
0x3d: {  	_ =	shalt  }
0x3e: {  	_ =	shalt  }
0x3f: {  	_ =	shalt  }
0x40: {  	_ =	shalt  }
0x41: {  	_ =	shalt  }
0x42: {  	_ =	shalt  }
0x43: {  	_ =	shalt  }
0x44: {  	_ =	shalt  }
0x45: {  	_ =	shalt  }
0x46: {  	_ =	shalt  }
0x47: {  	_ =	shalt  }
0x48: {  	_ =	shalt  }
0x49: {  	_ =	shalt  }
0x4a: {  	_ =	shalt  }
0x4b: {  	_ =	shalt  }
0x4c: {  	_ =	shalt  }
0x4d: {  	_ =	shalt  }
0x4e: {  	_ =	shalt  }
0x4f: {  	_ =	shalt  }
0x50: {  	_ =	shalt  }
0x51: {  	_ =	shalt  }
0x52: {  	_ =	shalt  }
0x53: {  	_ =	shalt  }
0x54: {  	_ =	shalt  }
0x55: {  	_ =	shalt  }
0x56: {  	_ =	shalt  }
0x57: {  	_ =	shalt  }
0x58: {  	_ =	shalt  }
0x59: {  	_ =	shalt  }
0x5a: {  	_ =	shalt  }
0x5b: {  	_ =	shalt  }
0x5c: {  	_ =	shalt  }
0x5d: {  	_ =	shalt  }
0x5e: {  	_ =	shalt  }
0x5f: {  	_ =	shalt  }
0x60: {  	_ =	shalt  }
0x61: {  	_ =	shalt  }
0x62: {  	_ =	shalt  }
0x63: {  	_ =	shalt  }
0x64: {  	_ =	shalt  }
0x65: {  	_ =	shalt  }
0x66: {  	_ =	shalt  }
0x67: {  	_ =	shalt  }
0x68: {  	_ =	shalt  }
0x69: {  	_ =	shalt  }
0x6a: {  	_ =	shalt  }
0x6b: {  	_ =	shalt  }
0x6c: {  	_ =	shalt  }
0x6d: {  	_ =	shalt  }
0x6e: {  	_ =	shalt  }
0x6f: {  	_ =	shalt  }
0x70: {  	_ =	shalt  }
0x71: {  	_ =	shalt  }
0x72: {  	_ =	shalt  }
0x73: {  	_ =	shalt  }
0x74: {  	_ =	shalt  }
0x75: {  	_ =	shalt  }
0x76: {  	_ =	shalt  }
0x77: {  	_ =	shalt  }
0x78: {  	_ =	shalt  }
0x79: {  	_ =	shalt  }
0x7a: {  	_ =	shalt  }
0x7b: {  	_ =	shalt  }
0x7c: {  	_ =	shalt  }
0x7d: {  	_ =	shalt  }
0x7e: {  	_ =	shalt  }
0x7f: {  	_ =	shalt  }
0x80: {  	_ =	shalt  }
0x81: {  	_ =	shalt  }
0x82: {  	_ =	shalt  }
0x83: {  	_ =	shalt  }
0x84: {  	_ =	shalt  }
0x85: {  	_ =	shalt  }
0x86: {  	_ =	shalt  }
0x87: {  	_ =	shalt  }
.Lfunc_end0:
.L_simem_size_0:
called_computation_lowered:
.L_overlay_start_0:
0x88: {  	s2 =	sld [smem:$0x3FD9]  }
0x89: {  	s3 =	sld [smem:$0x3FFE];
	_ =	sdelay $0x1  }
0x8a: {  	s1 =	srdreg.scid  }
0x8b: {  	s0 =	sand.u32 $0x1, s1  }
0x8c: {  	s16 =	sshll.u32 s0, $0xA;
	s2 =	sadd.s32 s3, s2  }
0x8d: {  	s2 =	sadd.s32 s2, s16  }
0x8e: {  	[smem:$0x3FB4] =	sst s2  }
0x8f: {  	_ = 	snop  }
0x90: {  	(tm) =	ssettm $0x1  }
0x91: {  	s17 =	sld [smem:$0x3FFB];
	_ =	sdelay $0x3  }
0x92: {  	_ =	strace s17  }
0x93: {  	s2 =	sld [smem:$0x3FFC];
	_ =	sdelay $0x3  }
0x94: {  	_ =	strace s2  }
0x95: {  	s2 =	sld [smem:$0x3FFD];
	_ =	sdelay $0x3  }
0x96: {  	_ =	strace s2  }
0x97: {  	_ =	strace $0x8FFFFFFF  }
0x98: {  	s18 =	sld [smem:$0x3FDB];
	_ =	sdelay $0x1  }
0x99: {  	s19 =	simm.s32 $_scs_section_size  }
0x9a: {  	s4 =	simm.s32 $_size__tile_overlayer_lowered;
	s5 =	simm.s32 $_tile_overlayer_lowered  }
0x9b: {  	s22 =	simm.s32 $0x1BFF;
	s21 =	sshll.u32 s5, $0x1;
	s2 =	sadd.s32 s19, s18  }
0x9c: {  	s6 =	simm.s32 $0x0;
	s20 =	sshll.u32 s4, $0x1;
	s4 =	sadd.s32 s21, s2  }
0x9d: {  	[timem:s6], [sflag:s22] =	dma.local [hbm:s4], s20  }
0x9e: {  	_ =	swait.ge [sflag:s22], s20  }
0x9f: {  	s3 =	ssub.s32 $0x0, s20;
	[sflag:s22] =	ssyncset.done $0x0  }
0xa0: {  	[sflag:s22] =	ssyncadd.s32 s3;
	_ =	sdelay $0x1  }
0xa1: {  	s23 =	simm.s32 $0x1B8B  }
0xa2: {  	_ =	swait.ge [sflag:s23], $0x1  }
0xa3: {  	[sflag:s23] =	ssyncset.done $0x0  }
0xa4: {  	s25 =	simm.s32 $0x1B8E;
	s24 =	sld [smem:$0x3FFE];
	[sflag:s23] =	ssyncadd.s32 $0xFFFFFFFF  }
0xa5: {  	s26 =	simm.s32 $execute0_lowered;
	[smem:$0x3FD2] =	sst s25  }
0xa6: {  	s4 =	sshll.u32 s26, $0x1;
	_ =	strace $0x80000046;
	[dreg:$0x1] =	wrdreg $0xFFFFFFFF  }
0xa7: {  	s28 =	simm.s32 $_size_execute0_lowered;
	s2 =	sadd.s32 s2, s4;
	[dreg:$0x0] =	wrdreg $0x0  }
0xa8: {  	s4 =	sshll.u32 s28, $0x1;
	[dreg:$0x2] =	wrdreg s2  }
0xa9: {  	[dreg:$0x3] =	wrdreg s4  }
0xaa: {  	[dreg:$0x4] =	wrdreg $0xC0  }
0xab: {  	_ =	task [dreg:s6], $0x5FFFF  }
0xac: {  	[dreg:$0x1] =	wrdreg $0xFFFFFFFF  }
0xad: {  	[dreg:$0x0] =	wrdreg $0x60  }
0xae: {  	[dreg:$0x2] =	wrdreg s24  }
0xaf: {  	[dreg:$0x3] =	wrdreg $0x9  }
0xb0: {  	_ =	task.clear_ibuf [dreg:s6], $0x4FFFF;
	_ =	strace $0x90000046  }
0xb1: {  	s29 =	simm.s32 $0x9;
	_ =	strace $0x80000048  }
0xb2: {  	_ =	swait.ge [sflag:s29], $0x1  }
0xb3: {  	[sflag:s29] =	ssyncadd.s32 $0xFFFFFFFF  }
0xb4: {  	_ =	strace $0x90000048  }
0xb5: {  	_ =	sfence  }
0xb6: {  	s30 =	sld [smem:$0x0];
	_ =	sdelay $0x2  }
0xb7: {  	s31 =	sshll.u32 s1, $0xD;
	s1 =	sshrl.u32 s1, $0x2  }
0xb8: {  	s3 =	sand.u32 $0x4000, s31;
	s1 =	sadd.s32 s1, s30  }
0xb9: {  	s0 =	sor.u32 s3, s0;
	s1 =	sshll.u32 s1, $0x11  }
0xba: {  	s0 =	sor.u32 s1, s0  }
0xbb: {  	s0 =	sadd.s32 $0x8F2B, s0  }
0xbc: {  	[sflag:s0] =	ssyncadd.remote.s32 $0x1  }
0xbd: {  	_ =	sfence.sel $0xFFFF  }
0xbe: {  	[dreg:$0x0] =	wrdreg $0xFFFFFFFF;
	(pc) =	sbr.abs _section_cstart, $3  }
0xbf: {  	[dreg:$0x1] =	wrdreg $0xFFFFFFFF  }
0xc0: {  	_ =	task.clear_ibuf [dreg:s6], $0x2FFFF;
	_ =	strace $0x9FFFFFFF  }
0xc1: {  	(tm) =	ssettm $0x7FFFFFFF  }
tec
execute0_lowered:
.L_overlay_start_1:
0x0: {  	(tag) =	ssettag $0x1  }
0x1: {  	s1 =	srdreg.scid  }
0x2: {  	s0 =	stileid.u32;
	s4 =	rddreg [dreg:$0x0];
	s8 =	simm.s32 $0x13C00  }
0x3: {  	s9 =	simm.s32 $0x80;
	s10 =	simm.s32 $0x400;
	s11 =	simm.s32 $0x0  }
0x4: {  	s3 =	sand.u32 $0x1, s1;
	s2 =	sshll.u32 s0, $0x1;
	s1 =	rddreg [dreg:$0x1]  }
0x5: {  	s6 =	sshrl.u32 s0, $0x2;
	s5 =	sor.u32 s3, s2;
	s2 =	simm.s32 $0x0  }
0x6: {  	s6 =	smul.u32 $0x13C00, s6;
	s30 =	ssub.s32 $0x2, s3;
	s7 =	sshll.u32 s5, $0x7  }
0x7: {  	s3 =	sadd.s32 $0x53000, s4;
	s5 =	smul.u32 $0x2780, s5;
	s7 =	sand.u32 $0x380, s7  }
0x8: {  	[smem:$0x7FF] =	sst s2;
	s31 =	sshrl.u32 s30, $0x1;
	s6 =	sor.u32 s6, s7  }
0x9: {  	_ =	strace $0x80000047;
	s5 =	sadd.s32 s5, s4;
	s6 =	sshrl.u32 s6, $0x3  }
0xa: {  	s7 =	ssub.s32 s30, s31;
	s6 =	sadd.s32 s6, s4;
	s4 =	sadd.s32 $0x4000, s5  }
0xb: {  	v0 =	vimm.f32 $1.000000000e+00;
	s5 =	sadd.s32 $0x53600, s6;
	s6 =	smax.u32 s7, $0x1;
	s7 =	simm.s32 $0x1  }
.LBB2_1:
0xc: {  	[tilespmem:s2], [sflag:$0x1] =	stream.linear.gather [hbm4b:s4+s2], $0x13880, $0x38;
	[tilespmem:$0x16380] =	vst v63  }
0xd: {  	_ =	swait.ge [sflag:s7], $0x13880  }
0xe: {  	[sflag:s7] =	ssyncset.done $0x0  }
0xf: {  	[sflag:s7] =	ssyncadd.s32 $0xFFFEC780  }
0x10: {  	[tilespmem:s8], [sflag:$0x1] =	stream.linear.gather [hbm4b:s3+s2], $0x2780, $0x38;
	[tilespmem:$0x16380] =	vst v63  }
0x11: {  	_ =	swait.ge [sflag:s7], $0x2780  }
0x12: {  	[sflag:s7] =	ssyncset.done $0x0  }
0x13: {  	s13 =	simm.s32 $0x0;
	s12 =	simm.s32 $0x200;
	[sflag:s7] =	ssyncadd.s32 $0xFFFFD880  }
.LBB2_2:
0x14: {  	p0 =	sne.s32 s12, $0x4E000;
	v1 =	vld [tilespmem:s13+$0x0];
	_ =	sdelay $0x3  }
.Ltmp0:
0x15: {  	(pc) =	sbr.rel @p0 .LBB2_2-.Ltmp0, $2  }
0x16: {  	_ =	sdelay $0x2  }
0x17: {  	s13 =	sshra.s32 s12, $0x2;
	s12 =	sadd.s32 $0x200, s12;
	[tilespmem:v1+s8+$0x0] =	vst.idx.add.f32.msk $0xffff, v0  }
0x18: {  	v1 =	vld [tilespmem:s13+$0x0];
	_ =	sdelay $0x5  }
0x19: {  	s11 =	sadd.s32 $0x1, s11  }
0x1a: {  	p0 =	sne.s32 s11, s6  }
.Ltmp1:
0x1b: {  	[tilespmem:v1+s8+$0x0] =	vst.idx.add.f32.msk $0xffff, v0;
	(pc) =	sbr.rel @p0 .LBB2_1-.Ltmp1, $4  }
0x1c: {  	[hbm4b:s5+s9] =	stream.strided.scatter [tilespmem:s8], [sflag:$0x1], $0x2780, s10, s9, $0x38;
	[tilespmem:$0x16380] =	vst v63  }
0x1d: {  	_ =	swait.ge [sflag:s7], $0x2780  }
0x1e: {  	[sflag:s7] =	ssyncset.done $0x0  }
0x1f: {  	[sflag:s7] =	ssyncadd.s32 $0xFFFFD880  }
0x20: {  	_ =	sfence.sel $0x180000  }
0x21: {  	[bflag:$0x0] =	sbarrier.arrive $0xFFFF  }
0x22: {  	p0 =	sne.s32 s0, $0x0;
	_ =	strace $0x90000047  }
0x23: {  	s0 =	sadd.s32 @!p0 $0x100000, s1;
	[bflag:$0x2] =	sbarrier.arrive $0xFFFF  }
0x24: {  	[sflag:s0] =	ssyncadd.tile.s32 @!p0 $0x1;
	_ =	shalt  }
.Lfunc_end2:
_tile_overlayer_lowered:
.L_overlay_start_2:
0x25: {  	(tag) =	ssettag $0x2  }
0x26: {  	s0 =	rddreg [dreg:$0x0];
	s2 =	stileid.u32  }
0x27: {  	s1 =	rddreg [dreg:$0x1];
	p0 =	sne.s32 s2, $0x0  }
0x28: {  	s3 =	rddreg [dreg:$0x2];
	[bflag:$0x3] =	sbarrier.arrive $0xFFFF;
	s2 =	simm.s32 @!p0 $0x1C01  }
0x29: {  	[timem:s3], [sflag:s2] =	dma.local @!p0 [hbm:s0], s1  }
0x2a: {  	s0 =	simm.s32 @!p0 $0x1  }
0x2b: {  	_ =	swait.ge @!p0 [sflag:s0], s1  }
0x2c: {  	s1 =	ssub.s32 @!p0 $0x0, s1;
	[sflag:s0] =	ssyncset.done @!p0 $0x0  }
0x2d: {  	[sflag:s0] =	ssyncadd.s32 @!p0 s1  }
0x2e: {  	[bflag:$0x3] =	sbarrier.arrive $0xFFFF  }
0x2f: {  	_ =	shalt  }

</sc_bundles>
